<compile_context>
chip_gen: v7x
topology: tpu7x:2x2x1
jax: 0.10.2.dev20260603
libtpu: 0.0.44.dev20260713+nightly
codegen_flags: <defaults>
</compile_context>

<pallas_src>
import functools

import jax
import jax.numpy as jnp
from jax import lax
from jax.experimental import pallas as pl
from jax.experimental.pallas import tpu as pltpu
from jax.experimental.pallas import tpu_sc as plsc

B, L, D, K = 4, 8192, 768, 1024
NW = 32
RPW = (B * K) // NW


def _body(ta, tb, st, ia, ib, ica, icb, out_s, out_t,
          i0, i1, i2, i3, rows_v, isem, gsem, wsem):
    wid = lax.axis_index("s") * 2 + lax.axis_index("c")
    flat_base = pl.multiple_of(wid * RPW, RPW)
    b = flat_base // K
    k_base = flat_base - b * K
    out_bb = b * (2 * K)

    jobs = (
        (ta, ia, out_t, 0, i0),
        (tb, ib, out_t, K, i1),
        (st, ica, out_s, 0, i2),
        (st, icb, out_s, K, i3),
    )
    icopies = [
        pltpu.async_copy(iref.at[b, pl.ds(k_base, RPW)], iv, isem)
        for (_, iref, _, _, iv) in jobs
    ]
    write = None
    for (tab, _, oref, joff, iv), ic in zip(jobs, icopies):
        ic.wait()
        if write is not None:
            write.wait()
        g = pltpu.async_copy(tab.at[b].at[iv], rows_v, gsem)
        g.wait()
        out_base = pl.multiple_of(out_bb + joff + k_base, RPW)
        write = pltpu.async_copy(rows_v, oref.at[pl.ds(out_base, RPW)], wsem)
    write.wait()


@functools.partial(
    pl.kernel,
    mesh=plsc.VectorSubcoreMesh(core_axis_name="c", subcore_axis_name="s"),
    out_type=[
        jax.ShapeDtypeStruct((B * 2 * K, D), jnp.float32),
        jax.ShapeDtypeStruct((B * 2 * K, D), jnp.float32),
    ],
    scratch_types=[
        pltpu.VMEM((RPW,), jnp.int32),
        pltpu.VMEM((RPW,), jnp.int32),
        pltpu.VMEM((RPW,), jnp.int32),
        pltpu.VMEM((RPW,), jnp.int32),
        pltpu.VMEM((RPW, D), jnp.float32),
        pltpu.SemaphoreType.DMA,
        pltpu.SemaphoreType.DMA,
        pltpu.SemaphoreType.DMA,
    ],
)
def _gather(ta, tb, st, ia, ib, ica, icb, out_s, out_t,
            i0, i1, i2, i3, rows_v, isem, gsem, wsem):
    _body(ta, tb, st, ia, ib, ica, icb, out_s, out_t,
          i0, i1, i2, i3, rows_v, isem, gsem, wsem)


def kernel(teacher_logits_a, teacher_logits_b, student_results,
           span_a_selected_index, span_b_selected_index,
           span_c_a_selected_index, span_c_b_selected_index):
    out_s, out_t = _gather(
        teacher_logits_a, teacher_logits_b, student_results,
        span_a_selected_index.astype(jnp.int32),
        span_b_selected_index.astype(jnp.int32),
        span_c_a_selected_index.astype(jnp.int32),
        span_c_b_selected_index.astype(jnp.int32))
    return (out_s.reshape(B, 2 * K, D), out_t.reshape(B, 2 * K, D))

# --- scband reference (transcript-rebuilt; emitter-appended) ---
"""Pipeline reference for scband-mix-sent-alignment-module-55559696941491 (READ-ONLY COPY).

The authoritative reference and input builder live on the scoring server;
editing this copy changes nothing except your own understanding.
"""

import jax, jax.numpy as jnp
import numpy as np

B, L, D, K = 4, 8192, 768, 1024


def batched_index_select_tensor(t, idx):
    # t: [B, L, D], idx: [B, K] -> [B, K, D]
    batch_idx = jnp.arange(t.shape[0])[:, None]
    return t[batch_idx, idx]


def setup_inputs(seed: int = 0) -> dict:
    key = jax.random.key(seed)
    ks = jax.random.split(key, 7)
    return {
        "teacher_logits_a": jax.random.normal(ks[0], (B, L, D), dtype=jnp.float32),
        "teacher_logits_b": jax.random.normal(ks[1], (B, L, D), dtype=jnp.float32),
        "student_results": jax.random.normal(ks[2], (B, L, D), dtype=jnp.float32),
        "span_a_selected_index": jax.random.randint(ks[3], (B, K), 0, L, dtype=jnp.int64 if jax.config.jax_enable_x64 else jnp.int32),
        "span_b_selected_index": jax.random.randint(ks[4], (B, K), 0, L, dtype=jnp.int64 if jax.config.jax_enable_x64 else jnp.int32),
        "span_c_a_selected_index": jax.random.randint(ks[5], (B, K), 0, L, dtype=jnp.int64 if jax.config.jax_enable_x64 else jnp.int32),
        "span_c_b_selected_index": jax.random.randint(ks[6], (B, K), 0, L, dtype=jnp.int64 if jax.config.jax_enable_x64 else jnp.int32),
    }


def reference(teacher_logits_a, teacher_logits_b, student_results,
              span_a_selected_index, span_b_selected_index,
              span_c_a_selected_index, span_c_b_selected_index):
    logits_a = teacher_logits_a
    logits_b = teacher_logits_b
    logits_c = student_results
    selected_logits_a = batched_index_select_tensor(logits_a, span_a_selected_index)
    selected_logits_b = batched_index_select_tensor(logits_b, span_b_selected_index)
    selected_logits_c_a = batched_index_select_tensor(logits_c, span_c_a_selected_index)
    selected_logits_c_b = batched_index_select_tensor(logits_c, span_c_b_selected_index)
    combined_c_teacher = jnp.concatenate([selected_logits_a, selected_logits_b], axis=1)
    combined_c_student = jnp.concatenate([selected_logits_c_a, selected_logits_c_b], axis=1)
    return (combined_c_student, combined_c_teacher)

if __name__ == "__main__":
    import jax
    _d = setup_inputs()
    print(jax.jit(kernel)(*tuple(_d.values())))

</pallas_src>

<mosaic_0001>
#map = affine_map<(d0, d1) -> (0, 0, 0)>
#map1 = affine_map<(d0, d1) -> (0, 0)>
module attributes {stable_mosaic.version = 14 : i64} {
  func.func @_gather(%arg0: i32, %arg1: i32, %arg2: memref<4x8192x768xf32, #tpu.memory_space<hbm>>, %arg3: memref<4x8192x768xf32, #tpu.memory_space<hbm>>, %arg4: memref<4x8192x768xf32, #tpu.memory_space<hbm>>, %arg5: memref<4x1024xi32, #tpu.memory_space<hbm>>, %arg6: memref<4x1024xi32, #tpu.memory_space<hbm>>, %arg7: memref<4x1024xi32, #tpu.memory_space<hbm>>, %arg8: memref<4x1024xi32, #tpu.memory_space<hbm>>, %arg9: memref<8192x768xf32, #tpu.memory_space<hbm>>, %arg10: memref<8192x768xf32, #tpu.memory_space<hbm>>, %arg11: memref<128xi32, #tpu.memory_space<vmem>>, %arg12: memref<128xi32, #tpu.memory_space<vmem>>, %arg13: memref<128xi32, #tpu.memory_space<vmem>>, %arg14: memref<128xi32, #tpu.memory_space<vmem>>, %arg15: memref<128x768xf32, #tpu.memory_space<vmem>>, %arg16: memref<!tpu.dma_semaphore, #tpu.memory_space<semaphore_mem>>, %arg17: memref<!tpu.dma_semaphore, #tpu.memory_space<semaphore_mem>>, %arg18: memref<!tpu.dma_semaphore, #tpu.memory_space<semaphore_mem>>) attributes {dimension_semantics = [#tpu.dimension_semantics<core_parallel>, #tpu.dimension_semantics<subcore_parallel>], iteration_bounds = array<i64: 2, 16>, scalar_prefetch = 0 : i64, scratch_operands = 8 : i64, tpu.core_type = #tpu.core_type<sc_vector_subcore>, window_params = [{transform_indices = #map}, {transform_indices = #map}, {transform_indices = #map}, {transform_indices = #map1}, {transform_indices = #map1}, {transform_indices = #map1}, {transform_indices = #map1}, {transform_indices = #map1}, {transform_indices = #map1}]} {
    %mul3A = arith.constant 2 : i32
    %mul3A_0 = arith.muli %arg1, %mul3A : i32
    %add3A = arith.addi %mul3A_0, %arg0 : i32
    %mul3A_1 = arith.constant 128 : i32
    %mul3A_2 = arith.muli %add3A, %mul3A_1 : i32
    %multiple_of3A = tpu.assume_multiple %mul3A_2, 128 : i32
    %jit3A = arith.constant 1024 : i32
    %div3A = arith.divsi %multiple_of3A, %jit3A : i32
    %sign3A = arith.constant 0 : i32
    %sign3A_3 = arith.cmpi sgt, %multiple_of3A, %sign3A : i32
    %sign3A_4 = arith.extui %sign3A_3 : i1 to i32
    %sign3A_5 = arith.constant 0 : i32
    %sign3A_6 = arith.cmpi slt, %multiple_of3A, %sign3A_5 : i32
    %sign3A_7 = arith.extui %sign3A_6 : i1 to i32
    %sign3A_8 = arith.subi %sign3A_4, %sign3A_7 : i32
    %sign3A_9 = arith.constant 0 : i32
    %sign3A_10 = arith.cmpi sgt, %jit3A, %sign3A_9 : i32
    %sign3A_11 = arith.extui %sign3A_10 : i1 to i32
    %sign3A_12 = arith.constant 0 : i32
    %sign3A_13 = arith.cmpi slt, %jit3A, %sign3A_12 : i32
    %sign3A_14 = arith.extui %sign3A_13 : i1 to i32
    %sign3A_15 = arith.subi %sign3A_11, %sign3A_14 : i32
    %ne3A = arith.cmpi ne, %sign3A_8, %sign3A_15 : i32
    %rem3A = arith.remsi %multiple_of3A, %jit3A : i32
    %ne3A_16 = arith.constant 0 : i32
    %ne3A_17 = arith.cmpi ne, %rem3A, %ne3A_16 : i32
    %and3A = arith.andi %ne3A, %ne3A_17 : i1
    %sub3A = arith.constant 1 : i32
    %sub3A_18 = arith.subi %div3A, %sub3A : i32
    %select_n3A = arith.select %and3A, %sub3A_18, %div3A : i32
    %mul3A_19 = arith.constant 1024 : i32
    %mul3A_20 = arith.muli %select_n3A, %mul3A_19 : i32
    %sub3A_21 = arith.subi %multiple_of3A, %mul3A_20 : i32
    %mul3A_22 = arith.constant 2048 : i32
    %mul3A_23 = arith.muli %select_n3A, %mul3A_22 : i32
    %dma_start3A = tpu.memref_slice %arg5[%select_n3A, %sub3A_21] : memref<4x1024xi32, #tpu.memory_space<hbm>> -> memref<1x128xi32, #tpu.memory_space<hbm>>
    %dma_start3A_24 = tpu.memref_squeeze %dma_start3A : memref<1x128xi32, #tpu.memory_space<hbm>> -> memref<128xi32, #tpu.memory_space<hbm>>
    %dma_start3A_25 = tpu.memref_slice %arg5[%select_n3A, %sub3A_21] : memref<4x1024xi32, #tpu.memory_space<hbm>> -> memref<1x128xi32, #tpu.memory_space<hbm>>
    %dma_start3A_26 = tpu.memref_squeeze %dma_start3A_25 : memref<1x128xi32, #tpu.memory_space<hbm>> -> memref<128xi32, #tpu.memory_space<hbm>>
    tpu.enqueue_dma source(%dma_start3A_26 : memref<128xi32, #tpu.memory_space<hbm>>) target(%arg11 : memref<128xi32, #tpu.memory_space<vmem>>) target_semaphore(%arg16 : memref<!tpu.dma_semaphore, #tpu.memory_space<semaphore_mem>>)
    %dma_start3A_27 = tpu.memref_slice %arg6[%select_n3A, %sub3A_21] : memref<4x1024xi32, #tpu.memory_space<hbm>> -> memref<1x128xi32, #tpu.memory_space<hbm>>
    %dma_start3A_28 = tpu.memref_squeeze %dma_start3A_27 : memref<1x128xi32, #tpu.memory_space<hbm>> -> memref<128xi32, #tpu.memory_space<hbm>>
    %dma_start3A_29 = tpu.memref_slice %arg6[%select_n3A, %sub3A_21] : memref<4x1024xi32, #tpu.memory_space<hbm>> -> memref<1x128xi32, #tpu.memory_space<hbm>>
    %dma_start3A_30 = tpu.memref_squeeze %dma_start3A_29 : memref<1x128xi32, #tpu.memory_space<hbm>> -> memref<128xi32, #tpu.memory_space<hbm>>
    tpu.enqueue_dma source(%dma_start3A_30 : memref<128xi32, #tpu.memory_space<hbm>>) target(%arg12 : memref<128xi32, #tpu.memory_space<vmem>>) target_semaphore(%arg16 : memref<!tpu.dma_semaphore, #tpu.memory_space<semaphore_mem>>)
    %dma_start3A_31 = tpu.memref_slice %arg7[%select_n3A, %sub3A_21] : memref<4x1024xi32, #tpu.memory_space<hbm>> -> memref<1x128xi32, #tpu.memory_space<hbm>>
    %dma_start3A_32 = tpu.memref_squeeze %dma_start3A_31 : memref<1x128xi32, #tpu.memory_space<hbm>> -> memref<128xi32, #tpu.memory_space<hbm>>
    %dma_start3A_33 = tpu.memref_slice %arg7[%select_n3A, %sub3A_21] : memref<4x1024xi32, #tpu.memory_space<hbm>> -> memref<1x128xi32, #tpu.memory_space<hbm>>
    %dma_start3A_34 = tpu.memref_squeeze %dma_start3A_33 : memref<1x128xi32, #tpu.memory_space<hbm>> -> memref<128xi32, #tpu.memory_space<hbm>>
    tpu.enqueue_dma source(%dma_start3A_34 : memref<128xi32, #tpu.memory_space<hbm>>) target(%arg13 : memref<128xi32, #tpu.memory_space<vmem>>) target_semaphore(%arg16 : memref<!tpu.dma_semaphore, #tpu.memory_space<semaphore_mem>>)
    %dma_start3A_35 = tpu.memref_slice %arg8[%select_n3A, %sub3A_21] : memref<4x1024xi32, #tpu.memory_space<hbm>> -> memref<1x128xi32, #tpu.memory_space<hbm>>
    %dma_start3A_36 = tpu.memref_squeeze %dma_start3A_35 : memref<1x128xi32, #tpu.memory_space<hbm>> -> memref<128xi32, #tpu.memory_space<hbm>>
    %dma_start3A_37 = tpu.memref_slice %arg8[%select_n3A, %sub3A_21] : memref<4x1024xi32, #tpu.memory_space<hbm>> -> memref<1x128xi32, #tpu.memory_space<hbm>>
    %dma_start3A_38 = tpu.memref_squeeze %dma_start3A_37 : memref<1x128xi32, #tpu.memory_space<hbm>> -> memref<128xi32, #tpu.memory_space<hbm>>
    tpu.enqueue_dma source(%dma_start3A_38 : memref<128xi32, #tpu.memory_space<hbm>>) target(%arg14 : memref<128xi32, #tpu.memory_space<vmem>>) target_semaphore(%arg16 : memref<!tpu.dma_semaphore, #tpu.memory_space<semaphore_mem>>)
    %dma_wait3A = tpu.memref_slice %arg5[%select_n3A, %sub3A_21] : memref<4x1024xi32, #tpu.memory_space<hbm>> -> memref<1x128xi32, #tpu.memory_space<hbm>>
    %dma_wait3A_39 = tpu.memref_squeeze %dma_wait3A : memref<1x128xi32, #tpu.memory_space<hbm>> -> memref<128xi32, #tpu.memory_space<hbm>>
    %dma_wait3A_40 = tpu.memref_slice %arg5[%select_n3A, %sub3A_21] : memref<4x1024xi32, #tpu.memory_space<hbm>> -> memref<1x128xi32, #tpu.memory_space<hbm>>
    %dma_wait3A_41 = tpu.memref_squeeze %dma_wait3A_40 : memref<1x128xi32, #tpu.memory_space<hbm>> -> memref<128xi32, #tpu.memory_space<hbm>>
    tpu.wait_dma2 semaphore(%arg16 : memref<!tpu.dma_semaphore, #tpu.memory_space<semaphore_mem>>) src(%dma_wait3A_41 : memref<128xi32, #tpu.memory_space<hbm>>) dst(%arg11 : memref<128xi32, #tpu.memory_space<vmem>>)
    %dma_start3A_42 = arith.constant 0 : i32
    %dma_start3A_43 = arith.constant 0 : i32
    %dma_start3A_44 = tpu.memref_slice %arg2[%select_n3A, %dma_start3A_42, %dma_start3A_43] : memref<4x8192x768xf32, #tpu.memory_space<hbm>> -> memref<1x8192x768xf32, #tpu.memory_space<hbm>>
    %dma_start3A_45 = tpu.memref_squeeze %dma_start3A_44 : memref<1x8192x768xf32, #tpu.memory_space<hbm>> -> memref<8192x768xf32, #tpu.memory_space<hbm>>
    %dma_start3A_46 = arith.constant 0 : i32
    %dma_start3A_47 = arith.constant 0 : i32
    %dma_start3A_48 = tpu.memref_slice %dma_start3A_45[%dma_start3A_46, %dma_start3A_47] : memref<8192x768xf32, #tpu.memory_space<hbm>> -> memref<8192x768xf32, #tpu.memory_space<hbm>>
    tpu.enqueue_indirect_dma source(%dma_start3A_48 : memref<8192x768xf32, #tpu.memory_space<hbm>>) target(%arg15 : memref<128x768xf32, #tpu.memory_space<vmem>>) offsets(%arg11 : memref<128xi32, #tpu.memory_space<vmem>>) semaphore(%arg17 : memref<!tpu.dma_semaphore, #tpu.memory_space<semaphore_mem>>)
    %dma_wait3A_49 = arith.constant 0 : i32
    %dma_wait3A_50 = arith.constant 0 : i32
    %dma_wait3A_51 = tpu.memref_slice %arg2[%select_n3A, %dma_wait3A_49, %dma_wait3A_50] : memref<4x8192x768xf32, #tpu.memory_space<hbm>> -> memref<1x8192x768xf32, #tpu.memory_space<hbm>>
    %dma_wait3A_52 = tpu.memref_squeeze %dma_wait3A_51 : memref<1x8192x768xf32, #tpu.memory_space<hbm>> -> memref<8192x768xf32, #tpu.memory_space<hbm>>
    %dma_wait3A_53 = arith.constant 0 : i32
    %dma_wait3A_54 = arith.constant 0 : i32
    %dma_wait3A_55 = tpu.memref_slice %dma_wait3A_52[%dma_wait3A_53, %dma_wait3A_54] : memref<8192x768xf32, #tpu.memory_space<hbm>> -> memref<8192x768xf32, #tpu.memory_space<hbm>>
    tpu.wait_indirect_dma semaphore(%arg17 : memref<!tpu.dma_semaphore, #tpu.memory_space<semaphore_mem>>) src(%dma_wait3A_55 : memref<8192x768xf32, #tpu.memory_space<hbm>>) dst(%arg15 : memref<128x768xf32, #tpu.memory_space<vmem>>)
    %add3A_56 = arith.constant 0 : i32
    %add3A_57 = arith.addi %mul3A_23, %add3A_56 : i32
    %add3A_58 = arith.addi %add3A_57, %sub3A_21 : i32
    %multiple_of3A_59 = tpu.assume_multiple %add3A_58, 128 : i32
    %dma_start3A_60 = arith.constant 0 : i32
    %dma_start3A_61 = tpu.memref_slice %arg10[%multiple_of3A_59, %dma_start3A_60] : memref<8192x768xf32, #tpu.memory_space<hbm>> -> memref<128x768xf32, #tpu.memory_space<hbm>>
    %dma_start3A_62 = arith.constant 0 : i32
    %dma_start3A_63 = tpu.memref_slice %arg10[%multiple_of3A_59, %dma_start3A_62] : memref<8192x768xf32, #tpu.memory_space<hbm>> -> memref<128x768xf32, #tpu.memory_space<hbm>>
    tpu.enqueue_dma source(%arg15 : memref<128x768xf32, #tpu.memory_space<vmem>>) target(%dma_start3A_63 : memref<128x768xf32, #tpu.memory_space<hbm>>) target_semaphore(%arg18 : memref<!tpu.dma_semaphore, #tpu.memory_space<semaphore_mem>>)
    %dma_wait3A_64 = tpu.memref_slice %arg6[%select_n3A, %sub3A_21] : memref<4x1024xi32, #tpu.memory_space<hbm>> -> memref<1x128xi32, #tpu.memory_space<hbm>>
    %dma_wait3A_65 = tpu.memref_squeeze %dma_wait3A_64 : memref<1x128xi32, #tpu.memory_space<hbm>> -> memref<128xi32, #tpu.memory_space<hbm>>
    %dma_wait3A_66 = tpu.memref_slice %arg6[%select_n3A, %sub3A_21] : memref<4x1024xi32, #tpu.memory_space<hbm>> -> memref<1x128xi32, #tpu.memory_space<hbm>>
    %dma_wait3A_67 = tpu.memref_squeeze %dma_wait3A_66 : memref<1x128xi32, #tpu.memory_space<hbm>> -> memref<128xi32, #tpu.memory_space<hbm>>
    tpu.wait_dma2 semaphore(%arg16 : memref<!tpu.dma_semaphore, #tpu.memory_space<semaphore_mem>>) src(%dma_wait3A_67 : memref<128xi32, #tpu.memory_space<hbm>>) dst(%arg12 : memref<128xi32, #tpu.memory_space<vmem>>)
    %dma_wait3A_68 = arith.constant 0 : i32
    %dma_wait3A_69 = tpu.memref_slice %arg10[%multiple_of3A_59, %dma_wait3A_68] : memref<8192x768xf32, #tpu.memory_space<hbm>> -> memref<128x768xf32, #tpu.memory_space<hbm>>
    %dma_wait3A_70 = arith.constant 0 : i32
    %dma_wait3A_71 = tpu.memref_slice %arg10[%multiple_of3A_59, %dma_wait3A_70] : memref<8192x768xf32, #tpu.memory_space<hbm>> -> memref<128x768xf32, #tpu.memory_space<hbm>>
    tpu.wait_dma2 semaphore(%arg18 : memref<!tpu.dma_semaphore, #tpu.memory_space<semaphore_mem>>) src(%arg15 : memref<128x768xf32, #tpu.memory_space<vmem>>) dst(%dma_wait3A_71 : memref<128x768xf32, #tpu.memory_space<hbm>>)
    %dma_start3A_72 = arith.constant 0 : i32
    %dma_start3A_73 = arith.constant 0 : i32
    %dma_start3A_74 = tpu.memref_slice %arg3[%select_n3A, %dma_start3A_72, %dma_start3A_73] : memref<4x8192x768xf32, #tpu.memory_space<hbm>> -> memref<1x8192x768xf32, #tpu.memory_space<hbm>>
    %dma_start3A_75 = tpu.memref_squeeze %dma_start3A_74 : memref<1x8192x768xf32, #tpu.memory_space<hbm>> -> memref<8192x768xf32, #tpu.memory_space<hbm>>
    %dma_start3A_76 = arith.constant 0 : i32
    %dma_start3A_77 = arith.constant 0 : i32
    %dma_start3A_78 = tpu.memref_slice %dma_start3A_75[%dma_start3A_76, %dma_start3A_77] : memref<8192x768xf32, #tpu.memory_space<hbm>> -> memref<8192x768xf32, #tpu.memory_space<hbm>>
    tpu.enqueue_indirect_dma source(%dma_start3A_78 : memref<8192x768xf32, #tpu.memory_space<hbm>>) target(%arg15 : memref<128x768xf32, #tpu.memory_space<vmem>>) offsets(%arg12 : memref<128xi32, #tpu.memory_space<vmem>>) semaphore(%arg17 : memref<!tpu.dma_semaphore, #tpu.memory_space<semaphore_mem>>)
    %dma_wait3A_79 = arith.constant 0 : i32
    %dma_wait3A_80 = arith.constant 0 : i32
    %dma_wait3A_81 = tpu.memref_slice %arg3[%select_n3A, %dma_wait3A_79, %dma_wait3A_80] : memref<4x8192x768xf32, #tpu.memory_space<hbm>> -> memref<1x8192x768xf32, #tpu.memory_space<hbm>>
    %dma_wait3A_82 = tpu.memref_squeeze %dma_wait3A_81 : memref<1x8192x768xf32, #tpu.memory_space<hbm>> -> memref<8192x768xf32, #tpu.memory_space<hbm>>
    %dma_wait3A_83 = arith.constant 0 : i32
    %dma_wait3A_84 = arith.constant 0 : i32
    %dma_wait3A_85 = tpu.memref_slice %dma_wait3A_82[%dma_wait3A_83, %dma_wait3A_84] : memref<8192x768xf32, #tpu.memory_space<hbm>> -> memref<8192x768xf32, #tpu.memory_space<hbm>>
    tpu.wait_indirect_dma semaphore(%arg17 : memref<!tpu.dma_semaphore, #tpu.memory_space<semaphore_mem>>) src(%dma_wait3A_85 : memref<8192x768xf32, #tpu.memory_space<hbm>>) dst(%arg15 : memref<128x768xf32, #tpu.memory_space<vmem>>)
    %add3A_86 = arith.constant 1024 : i32
    %add3A_87 = arith.addi %mul3A_23, %add3A_86 : i32
    %add3A_88 = arith.addi %add3A_87, %sub3A_21 : i32
    %multiple_of3A_89 = tpu.assume_multiple %add3A_88, 128 : i32
    %dma_start3A_90 = arith.constant 0 : i32
    %dma_start3A_91 = tpu.memref_slice %arg10[%multiple_of3A_89, %dma_start3A_90] : memref<8192x768xf32, #tpu.memory_space<hbm>> -> memref<128x768xf32, #tpu.memory_space<hbm>>
    %dma_start3A_92 = arith.constant 0 : i32
    %dma_start3A_93 = tpu.memref_slice %arg10[%multiple_of3A_89, %dma_start3A_92] : memref<8192x768xf32, #tpu.memory_space<hbm>> -> memref<128x768xf32, #tpu.memory_space<hbm>>
    tpu.enqueue_dma source(%arg15 : memref<128x768xf32, #tpu.memory_space<vmem>>) target(%dma_start3A_93 : memref<128x768xf32, #tpu.memory_space<hbm>>) target_semaphore(%arg18 : memref<!tpu.dma_semaphore, #tpu.memory_space<semaphore_mem>>)
    %dma_wait3A_94 = tpu.memref_slice %arg7[%select_n3A, %sub3A_21] : memref<4x1024xi32, #tpu.memory_space<hbm>> -> memref<1x128xi32, #tpu.memory_space<hbm>>
    %dma_wait3A_95 = tpu.memref_squeeze %dma_wait3A_94 : memref<1x128xi32, #tpu.memory_space<hbm>> -> memref<128xi32, #tpu.memory_space<hbm>>
    %dma_wait3A_96 = tpu.memref_slice %arg7[%select_n3A, %sub3A_21] : memref<4x1024xi32, #tpu.memory_space<hbm>> -> memref<1x128xi32, #tpu.memory_space<hbm>>
    %dma_wait3A_97 = tpu.memref_squeeze %dma_wait3A_96 : memref<1x128xi32, #tpu.memory_space<hbm>> -> memref<128xi32, #tpu.memory_space<hbm>>
    tpu.wait_dma2 semaphore(%arg16 : memref<!tpu.dma_semaphore, #tpu.memory_space<semaphore_mem>>) src(%dma_wait3A_97 : memref<128xi32, #tpu.memory_space<hbm>>) dst(%arg13 : memref<128xi32, #tpu.memory_space<vmem>>)
    %dma_wait3A_98 = arith.constant 0 : i32
    %dma_wait3A_99 = tpu.memref_slice %arg10[%multiple_of3A_89, %dma_wait3A_98] : memref<8192x768xf32, #tpu.memory_space<hbm>> -> memref<128x768xf32, #tpu.memory_space<hbm>>
    %dma_wait3A_100 = arith.constant 0 : i32
    %dma_wait3A_101 = tpu.memref_slice %arg10[%multiple_of3A_89, %dma_wait3A_100] : memref<8192x768xf32, #tpu.memory_space<hbm>> -> memref<128x768xf32, #tpu.memory_space<hbm>>
    tpu.wait_dma2 semaphore(%arg18 : memref<!tpu.dma_semaphore, #tpu.memory_space<semaphore_mem>>) src(%arg15 : memref<128x768xf32, #tpu.memory_space<vmem>>) dst(%dma_wait3A_101 : memref<128x768xf32, #tpu.memory_space<hbm>>)
    %dma_start3A_102 = arith.constant 0 : i32
    %dma_start3A_103 = arith.constant 0 : i32
    %dma_start3A_104 = tpu.memref_slice %arg4[%select_n3A, %dma_start3A_102, %dma_start3A_103] : memref<4x8192x768xf32, #tpu.memory_space<hbm>> -> memref<1x8192x768xf32, #tpu.memory_space<hbm>>
    %dma_start3A_105 = tpu.memref_squeeze %dma_start3A_104 : memref<1x8192x768xf32, #tpu.memory_space<hbm>> -> memref<8192x768xf32, #tpu.memory_space<hbm>>
    %dma_start3A_106 = arith.constant 0 : i32
    %dma_start3A_107 = arith.constant 0 : i32
    %dma_start3A_108 = tpu.memref_slice %dma_start3A_105[%dma_start3A_106, %dma_start3A_107] : memref<8192x768xf32, #tpu.memory_space<hbm>> -> memref<8192x768xf32, #tpu.memory_space<hbm>>
    tpu.enqueue_indirect_dma source(%dma_start3A_108 : memref<8192x768xf32, #tpu.memory_space<hbm>>) target(%arg15 : memref<128x768xf32, #tpu.memory_space<vmem>>) offsets(%arg13 : memref<128xi32, #tpu.memory_space<vmem>>) semaphore(%arg17 : memref<!tpu.dma_semaphore, #tpu.memory_space<semaphore_mem>>)
    %dma_wait3A_109 = arith.constant 0 : i32
    %dma_wait3A_110 = arith.constant 0 : i32
    %dma_wait3A_111 = tpu.memref_slice %arg4[%select_n3A, %dma_wait3A_109, %dma_wait3A_110] : memref<4x8192x768xf32, #tpu.memory_space<hbm>> -> memref<1x8192x768xf32, #tpu.memory_space<hbm>>
    %dma_wait3A_112 = tpu.memref_squeeze %dma_wait3A_111 : memref<1x8192x768xf32, #tpu.memory_space<hbm>> -> memref<8192x768xf32, #tpu.memory_space<hbm>>
    %dma_wait3A_113 = arith.constant 0 : i32
    %dma_wait3A_114 = arith.constant 0 : i32
    %dma_wait3A_115 = tpu.memref_slice %dma_wait3A_112[%dma_wait3A_113, %dma_wait3A_114] : memref<8192x768xf32, #tpu.memory_space<hbm>> -> memref<8192x768xf32, #tpu.memory_space<hbm>>
    tpu.wait_indirect_dma semaphore(%arg17 : memref<!tpu.dma_semaphore, #tpu.memory_space<semaphore_mem>>) src(%dma_wait3A_115 : memref<8192x768xf32, #tpu.memory_space<hbm>>) dst(%arg15 : memref<128x768xf32, #tpu.memory_space<vmem>>)
    %add3A_116 = arith.constant 0 : i32
    %add3A_117 = arith.addi %mul3A_23, %add3A_116 : i32
    %add3A_118 = arith.addi %add3A_117, %sub3A_21 : i32
    %multiple_of3A_119 = tpu.assume_multiple %add3A_118, 128 : i32
    %dma_start3A_120 = arith.constant 0 : i32
    %dma_start3A_121 = tpu.memref_slice %arg9[%multiple_of3A_119, %dma_start3A_120] : memref<8192x768xf32, #tpu.memory_space<hbm>> -> memref<128x768xf32, #tpu.memory_space<hbm>>
    %dma_start3A_122 = arith.constant 0 : i32
    %dma_start3A_123 = tpu.memref_slice %arg9[%multiple_of3A_119, %dma_start3A_122] : memref<8192x768xf32, #tpu.memory_space<hbm>> -> memref<128x768xf32, #tpu.memory_space<hbm>>
    tpu.enqueue_dma source(%arg15 : memref<128x768xf32, #tpu.memory_space<vmem>>) target(%dma_start3A_123 : memref<128x768xf32, #tpu.memory_space<hbm>>) target_semaphore(%arg18 : memref<!tpu.dma_semaphore, #tpu.memory_space<semaphore_mem>>)
    %dma_wait3A_124 = tpu.memref_slice %arg8[%select_n3A, %sub3A_21] : memref<4x1024xi32, #tpu.memory_space<hbm>> -> memref<1x128xi32, #tpu.memory_space<hbm>>
    %dma_wait3A_125 = tpu.memref_squeeze %dma_wait3A_124 : memref<1x128xi32, #tpu.memory_space<hbm>> -> memref<128xi32, #tpu.memory_space<hbm>>
    %dma_wait3A_126 = tpu.memref_slice %arg8[%select_n3A, %sub3A_21] : memref<4x1024xi32, #tpu.memory_space<hbm>> -> memref<1x128xi32, #tpu.memory_space<hbm>>
    %dma_wait3A_127 = tpu.memref_squeeze %dma_wait3A_126 : memref<1x128xi32, #tpu.memory_space<hbm>> -> memref<128xi32, #tpu.memory_space<hbm>>
    tpu.wait_dma2 semaphore(%arg16 : memref<!tpu.dma_semaphore, #tpu.memory_space<semaphore_mem>>) src(%dma_wait3A_127 : memref<128xi32, #tpu.memory_space<hbm>>) dst(%arg14 : memref<128xi32, #tpu.memory_space<vmem>>)
    %dma_wait3A_128 = arith.constant 0 : i32
    %dma_wait3A_129 = tpu.memref_slice %arg9[%multiple_of3A_119, %dma_wait3A_128] : memref<8192x768xf32, #tpu.memory_space<hbm>> -> memref<128x768xf32, #tpu.memory_space<hbm>>
    %dma_wait3A_130 = arith.constant 0 : i32
    %dma_wait3A_131 = tpu.memref_slice %arg9[%multiple_of3A_119, %dma_wait3A_130] : memref<8192x768xf32, #tpu.memory_space<hbm>> -> memref<128x768xf32, #tpu.memory_space<hbm>>
    tpu.wait_dma2 semaphore(%arg18 : memref<!tpu.dma_semaphore, #tpu.memory_space<semaphore_mem>>) src(%arg15 : memref<128x768xf32, #tpu.memory_space<vmem>>) dst(%dma_wait3A_131 : memref<128x768xf32, #tpu.memory_space<hbm>>)
    %dma_start3A_132 = arith.constant 0 : i32
    %dma_start3A_133 = arith.constant 0 : i32
    %dma_start3A_134 = tpu.memref_slice %arg4[%select_n3A, %dma_start3A_132, %dma_start3A_133] : memref<4x8192x768xf32, #tpu.memory_space<hbm>> -> memref<1x8192x768xf32, #tpu.memory_space<hbm>>
    %dma_start3A_135 = tpu.memref_squeeze %dma_start3A_134 : memref<1x8192x768xf32, #tpu.memory_space<hbm>> -> memref<8192x768xf32, #tpu.memory_space<hbm>>
    %dma_start3A_136 = arith.constant 0 : i32
    %dma_start3A_137 = arith.constant 0 : i32
    %dma_start3A_138 = tpu.memref_slice %dma_start3A_135[%dma_start3A_136, %dma_start3A_137] : memref<8192x768xf32, #tpu.memory_space<hbm>> -> memref<8192x768xf32, #tpu.memory_space<hbm>>
    tpu.enqueue_indirect_dma source(%dma_start3A_138 : memref<8192x768xf32, #tpu.memory_space<hbm>>) target(%arg15 : memref<128x768xf32, #tpu.memory_space<vmem>>) offsets(%arg14 : memref<128xi32, #tpu.memory_space<vmem>>) semaphore(%arg17 : memref<!tpu.dma_semaphore, #tpu.memory_space<semaphore_mem>>)
    %dma_wait3A_139 = arith.constant 0 : i32
    %dma_wait3A_140 = arith.constant 0 : i32
    %dma_wait3A_141 = tpu.memref_slice %arg4[%select_n3A, %dma_wait3A_139, %dma_wait3A_140] : memref<4x8192x768xf32, #tpu.memory_space<hbm>> -> memref<1x8192x768xf32, #tpu.memory_space<hbm>>
    %dma_wait3A_142 = tpu.memref_squeeze %dma_wait3A_141 : memref<1x8192x768xf32, #tpu.memory_space<hbm>> -> memref<8192x768xf32, #tpu.memory_space<hbm>>
    %dma_wait3A_143 = arith.constant 0 : i32
    %dma_wait3A_144 = arith.constant 0 : i32
    %dma_wait3A_145 = tpu.memref_slice %dma_wait3A_142[%dma_wait3A_143, %dma_wait3A_144] : memref<8192x768xf32, #tpu.memory_space<hbm>> -> memref<8192x768xf32, #tpu.memory_space<hbm>>
    tpu.wait_indirect_dma semaphore(%arg17 : memref<!tpu.dma_semaphore, #tpu.memory_space<semaphore_mem>>) src(%dma_wait3A_145 : memref<8192x768xf32, #tpu.memory_space<hbm>>) dst(%arg15 : memref<128x768xf32, #tpu.memory_space<vmem>>)
    %add3A_146 = arith.constant 1024 : i32
    %add3A_147 = arith.addi %mul3A_23, %add3A_146 : i32
    %add3A_148 = arith.addi %add3A_147, %sub3A_21 : i32
    %multiple_of3A_149 = tpu.assume_multiple %add3A_148, 128 : i32
    %dma_start3A_150 = arith.constant 0 : i32
    %dma_start3A_151 = tpu.memref_slice %arg9[%multiple_of3A_149, %dma_start3A_150] : memref<8192x768xf32, #tpu.memory_space<hbm>> -> memref<128x768xf32, #tpu.memory_space<hbm>>
    %dma_start3A_152 = arith.constant 0 : i32
    %dma_start3A_153 = tpu.memref_slice %arg9[%multiple_of3A_149, %dma_start3A_152] : memref<8192x768xf32, #tpu.memory_space<hbm>> -> memref<128x768xf32, #tpu.memory_space<hbm>>
    tpu.enqueue_dma source(%arg15 : memref<128x768xf32, #tpu.memory_space<vmem>>) target(%dma_start3A_153 : memref<128x768xf32, #tpu.memory_space<hbm>>) target_semaphore(%arg18 : memref<!tpu.dma_semaphore, #tpu.memory_space<semaphore_mem>>)
    %dma_wait3A_154 = arith.constant 0 : i32
    %dma_wait3A_155 = tpu.memref_slice %arg9[%multiple_of3A_149, %dma_wait3A_154] : memref<8192x768xf32, #tpu.memory_space<hbm>> -> memref<128x768xf32, #tpu.memory_space<hbm>>
    %dma_wait3A_156 = arith.constant 0 : i32
    %dma_wait3A_157 = tpu.memref_slice %arg9[%multiple_of3A_149, %dma_wait3A_156] : memref<8192x768xf32, #tpu.memory_space<hbm>> -> memref<128x768xf32, #tpu.memory_space<hbm>>
    tpu.wait_dma2 semaphore(%arg18 : memref<!tpu.dma_semaphore, #tpu.memory_space<semaphore_mem>>) src(%arg15 : memref<128x768xf32, #tpu.memory_space<vmem>>) dst(%dma_wait3A_157 : memref<128x768xf32, #tpu.memory_space<hbm>>)
    return
  }
}

</mosaic_0001>

<sc_bundles>
// kernel: kernel.3.cloned.1.call-start
scs
__scs_entry_jumppad:
0x0: {  	(pc) =	sbr.rel $0x88, $3  }
0x1: {  	(tag) =	ssettag $0x0;
	lr =	simm.s32 $0x1  }
0x2: {  	[smem:$0x3F9A] =	sst lr;
	_ =	strace $0xD0000000  }
0x3: {  	_ = 	snop  }
0x4: {  	_ = 	snop  }
0x5: {  	_ = 	snop  }
0x6: {  	_ = 	snop  }
0x7: {  	_ = 	snop  }
__scs_overlays_trampoline_lowered:
0x8: {  	[smem:$0x3FA9] =	sst s0  }
0x9: {  	[smem:$0x3FAA] =	sst s1  }
0xa: {  	[smem:$0x3FAB] =	sst s2  }
0xb: {  	[smem:$0x3FAC] =	sst s3  }
0xc: {  	[smem:$0x3FAD] =	sst s4  }
0xd: {  	[smem:$0x3FAE] =	sst s5  }
0xe: {  	[smem:$0x3FAF] =	sst s6  }
0xf: {  	[smem:$0x3FB0] =	sst s7  }
0x10: {  	[smem:$0x3FB1] =	sst s8  }
0x11: {  	[smem:$0x3FB2] =	sst s9;
	s0 =	simm.s32 @!p0 $0x0  }
0x12: {  	s1 =	sld [smem:$0x3F98];
	s0 =	simm.s32 @p0 $0x1  }
0x13: {  	[smem:$0x3FB3] =	sst s0;
	s0 =	simm.s32 @!p1 $0x0  }
0x14: {  	s2 =	sld [smem:$0x3F97];
	s0 =	simm.s32 @p1 $0x1  }
0x15: {  	[smem:$0x3FB4] =	sst s0;
	s0 =	simm.s32 @!p2 $0x0  }
0x16: {  	s3 =	sld [smem:$0x3FDB];
	s0 =	simm.s32 @p2 $0x1  }
0x17: {  	s4 =	simm.s32 $0x1BF5;
	[smem:$0x3FB6] =	sst s0  }
0x18: {  	s0 =	sld [smem:$0x3F99];
	_ =	swait.ge [sflag:s4], $0x0  }
0x19: {  	s7 =	sld [smem:$0x3F9A]  }
0x1a: {  	s8 =	sadd.s32 $0xFFFFE003, lr  }
0x1b: {  	s9 =	sadd.s32 $0xFFFFFEF7, lr;
	s5 =	simm.s32 $0xFFFFFFFF;
	p2 =	slt.u32 s8, $0xFFFFF086  }
0x1c: {  	p1 =	slt.u32 s9, $0xF7A;
	s5 =	simm.s32 @!p2 $0x0  }
0x1d: {  	s5 =	simm.s32 @p1 $0x1;
	p0 =	seq.s32 s7, s2  }
0x1e: {  	s7 =	smul.u32 @!p0 $0xF7A, s2;
	p2 =	seq.s32 @!p0 s5, $0x0  }
0x1f: {  	s9 =	smul.u32 $0xF7A, s1;
	s8 =	simm.s32 @!p0 $0x1BF5;
	p2 =	por !p2, p0  }
0x20: {  	[sflag:s8] =	ssyncset.s32 @!p0 $0xFFFFF086;
	s6 =	sadd.s32 @!p0 s3, s7;
	s7 =	simm.s32 @!p0 $0x108  }
0x21: {  	s3 =	sadd.s32 s3, s9;
	s6 =	sadd.s32 @!p0 $0x88, s6;
	s7 =	simm.s32 @p2 $0x1082  }
0x22: {  	[simem:s7], [sflag:s8] =	dma.local @!p0 [hbm:s6], $0xF7A  }
0x23: {  	s9 =	sor.u32 $0xD0000000, s2;
	s6 =	simm.s32 $0x108;
	_ =	swait.ge @!p0 [sflag:s8], $0x0  }
0x24: {  	s3 =	sadd.s32 $0x88, s3;
	s6 =	simm.s32 @!p1 $0x1082;
	[sflag:s4] =	ssyncset.s32 $0xFFFFF086  }
0x25: {  	[simem:s6], [sflag:s4] =	dma.local [hbm:s3], $0xF7A  }
0x26: {  	[smem:$0x3F9A] =	sst s1;
	(tag) =	ssettag s2;
	_ =	strace s9  }
0x27: {  	s1 =	sld [smem:$0x3FAA]  }
0x28: {  	s2 =	sld [smem:$0x3FAB]  }
0x29: {  	s4 =	sld [smem:$0x3FAD]  }
0x2a: {  	p0 =	seq.s32 s5, $0x0;
	s5 =	sld [smem:$0x3FAE]  }
0x2b: {  	s6 =	sld [smem:$0x3FAF]  }
0x2c: {  	s7 =	sld [smem:$0x3FB0]  }
0x2d: {  	s3 =	simm.s32 $0x108;
	s8 =	sld [smem:$0x3FB1]  }
0x2e: {  	s3 =	simm.s32 @!p0 $0x1082;
	s9 =	sld [smem:$0x3FB2]  }
0x2f: {  	lr =	sadd.s32 s0, s3;
	s0 =	sld [smem:$0x3FA9]  }
0x30: {  	s3 =	sld [smem:$0x3FAC]  }
0x31: {  	[smem:$0x3FB5] =	sst s10  }
0x32: {  	s10 =	sld [smem:$0x3FB3];
	_ =	sdelay $0x3  }
0x33: {  	p0 =	seq.s32 s10, $0x1;
	s10 =	sld [smem:$0x3FB5];
	_ =	sdelay $0x3  }
0x34: {  	[smem:$0x3FB5] =	sst s10  }
0x35: {  	s10 =	sld [smem:$0x3FB4];
	_ =	sdelay $0x3  }
0x36: {  	p1 =	seq.s32 s10, $0x1;
	s10 =	sld [smem:$0x3FB5];
	_ =	sdelay $0x3  }
0x37: {  	[smem:$0x3FB5] =	sst s10  }
0x38: {  	s10 =	sld [smem:$0x3FB6]  }
0x39: {  	_ = 	snop;
	(pc) =	sbr.ind lr, $3  }
0x3a: {  	_ = 	snop  }
0x3b: {  	_ = 	snop  }
0x3c: {  	p2 =	seq.s32 s10, $0x1;
	s10 =	sld [smem:$0x3FB5]  }
0x3d: {  	_ =	shalt  }
0x3e: {  	_ =	shalt  }
0x3f: {  	_ =	shalt  }
0x40: {  	_ =	shalt  }
0x41: {  	_ =	shalt  }
0x42: {  	_ =	shalt  }
0x43: {  	_ =	shalt  }
0x44: {  	_ =	shalt  }
0x45: {  	_ =	shalt  }
0x46: {  	_ =	shalt  }
0x47: {  	_ =	shalt  }
0x48: {  	_ =	shalt  }
0x49: {  	_ =	shalt  }
0x4a: {  	_ =	shalt  }
0x4b: {  	_ =	shalt  }
0x4c: {  	_ =	shalt  }
0x4d: {  	_ =	shalt  }
0x4e: {  	_ =	shalt  }
0x4f: {  	_ =	shalt  }
0x50: {  	_ =	shalt  }
0x51: {  	_ =	shalt  }
0x52: {  	_ =	shalt  }
0x53: {  	_ =	shalt  }
0x54: {  	_ =	shalt  }
0x55: {  	_ =	shalt  }
0x56: {  	_ =	shalt  }
0x57: {  	_ =	shalt  }
0x58: {  	_ =	shalt  }
0x59: {  	_ =	shalt  }
0x5a: {  	_ =	shalt  }
0x5b: {  	_ =	shalt  }
0x5c: {  	_ =	shalt  }
0x5d: {  	_ =	shalt  }
0x5e: {  	_ =	shalt  }
0x5f: {  	_ =	shalt  }
0x60: {  	_ =	shalt  }
0x61: {  	_ =	shalt  }
0x62: {  	_ =	shalt  }
0x63: {  	_ =	shalt  }
0x64: {  	_ =	shalt  }
0x65: {  	_ =	shalt  }
0x66: {  	_ =	shalt  }
0x67: {  	_ =	shalt  }
0x68: {  	_ =	shalt  }
0x69: {  	_ =	shalt  }
0x6a: {  	_ =	shalt  }
0x6b: {  	_ =	shalt  }
0x6c: {  	_ =	shalt  }
0x6d: {  	_ =	shalt  }
0x6e: {  	_ =	shalt  }
0x6f: {  	_ =	shalt  }
0x70: {  	_ =	shalt  }
0x71: {  	_ =	shalt  }
0x72: {  	_ =	shalt  }
0x73: {  	_ =	shalt  }
0x74: {  	_ =	shalt  }
0x75: {  	_ =	shalt  }
0x76: {  	_ =	shalt  }
0x77: {  	_ =	shalt  }
0x78: {  	_ =	shalt  }
0x79: {  	_ =	shalt  }
0x7a: {  	_ =	shalt  }
0x7b: {  	_ =	shalt  }
0x7c: {  	_ =	shalt  }
0x7d: {  	_ =	shalt  }
0x7e: {  	_ =	shalt  }
0x7f: {  	_ =	shalt  }
0x80: {  	_ =	shalt  }
0x81: {  	_ =	shalt  }
0x82: {  	_ =	shalt  }
0x83: {  	_ =	shalt  }
0x84: {  	_ =	shalt  }
0x85: {  	_ =	shalt  }
0x86: {  	_ =	shalt  }
0x87: {  	_ =	shalt  }
.Lfunc_end0:
.L_simem_size_0:
called_computation_lowered:
.L_overlay_start_0:
0x88: {  	s2 =	sld [smem:$0x3FD9]  }
0x89: {  	s3 =	sld [smem:$0x3FFE];
	_ =	sdelay $0x1  }
0x8a: {  	s1 =	srdreg.scid  }
0x8b: {  	s0 =	sand.u32 $0x1, s1  }
0x8c: {  	s15 =	sshll.u32 s0, $0xA;
	s2 =	sadd.s32 s3, s2  }
0x8d: {  	s2 =	sadd.s32 s2, s15  }
0x8e: {  	[smem:$0x3FC1] =	sst s2  }
0x8f: {  	_ = 	snop  }
0x90: {  	s2 =	sld [smem:$0x3FC9]  }
0x91: {  	s16 =	sld [smem:$0x3FC8]  }
0x92: {  	s4 =	sld [smem:$0x3FC7]  }
0x93: {  	s5 =	sld [smem:$0x3FC6]  }
0x94: {  	s6 =	sld [smem:$0x3FD0]  }
0x95: {  	s7 =	sld [smem:$0x3FC5]  }
0x96: {  	s8 =	sld [smem:$0x3FC4]  }
0x97: {  	s10 =	simm.s32 $0xA;
	s11 =	simm.s32 $0x10;
	s9 =	sld [smem:$0x3FC3]  }
0x98: {  	[smem:s11], [sflag:s10] =	dma.local [hbm:s6], $0x1  }
0x99: {  	_ =	swait.eq [sflag:s10], $0x1  }
0x9a: {  	[sflag:s10] =	ssyncset.done $0x0  }
0x9b: {  	s17 =	sld [smem:$0x10];
	[sflag:s10] =	ssyncadd.s32 $0xFFFFFFFF  }
0x9c: {  	s18 =	sld [smem:$0x11];
	(tm) =	ssettm $0x1  }
0x9d: {  	s19 =	sld [smem:$0x3FFB];
	_ =	sdelay $0x3  }
0x9e: {  	_ =	strace s19  }
0x9f: {  	s11 =	sld [smem:$0x3FFC];
	_ =	sdelay $0x3  }
0xa0: {  	_ =	strace s11  }
0xa1: {  	s11 =	sld [smem:$0x3FFD];
	_ =	sdelay $0x3  }
0xa2: {  	_ =	strace s11  }
0xa3: {  	_ =	strace $0x8FFFFFFF  }
0xa4: {  	s20 =	sld [smem:$0x3FDB];
	_ =	sdelay $0x1  }
0xa5: {  	s12 =	simm.s32 $_scs_section_size  }
0xa6: {  	s13 =	simm.s32 $_size__tile_overlayer_lowered;
	s14 =	simm.s32 $_tile_overlayer_lowered  }
0xa7: {  	s23 =	simm.s32 $0x1BFF;
	s22 =	sshll.u32 s14, $0x1;
	s11 =	sadd.s32 s12, s20  }
0xa8: {  	s21 =	sshll.u32 s13, $0x1;
	s15 =	simm.s32 $0x0;
	s13 =	sadd.s32 s22, s11  }
0xa9: {  	[timem:s15], [sflag:s23] =	dma.local [hbm:s13], s21  }
0xaa: {  	_ =	swait.ge [sflag:s23], s21  }
0xab: {  	s12 =	ssub.s32 $0x0, s21;
	[sflag:s23] =	ssyncset.done $0x0  }
0xac: {  	[sflag:s23] =	ssyncadd.s32 s12;
	_ =	sdelay $0x1  }
0xad: {  	s24 =	simm.s32 $0x1B8B  }
0xae: {  	_ =	swait.ge [sflag:s24], $0x1  }
0xaf: {  	[sflag:s24] =	ssyncset.done $0x0  }
0xb0: {  	s25 =	simm.s32 $0x1B8E;
	[sflag:s24] =	ssyncadd.s32 $0xFFFFFFFF  }
0xb1: {  	s26 =	simm.s32 $execute0_lowered;
	[smem:$0x3FD2] =	sst s25  }
0xb2: {  	s12 =	sshll.u32 s26, $0x1;
	_ =	strace $0x80000046;
	[dreg:$0x1] =	wrdreg $0xFFFFFFFF  }
0xb3: {  	s28 =	simm.s32 $_size_execute0_lowered;
	s11 =	sadd.s32 s11, s12;
	[dreg:$0x0] =	wrdreg $0x0  }
0xb4: {  	s12 =	sshll.u32 s28, $0x1;
	[dreg:$0x2] =	wrdreg s11  }
0xb5: {  	[dreg:$0x3] =	wrdreg s12  }
0xb6: {  	[dreg:$0x4] =	wrdreg $0xC0  }
0xb7: {  	_ =	task [dreg:s15], $0x5FFFF  }
0xb8: {  	[dreg:$0x1] =	wrdreg $0xFFFFFFFF  }
0xb9: {  	[dreg:$0x0] =	wrdreg $0x60  }
0xba: {  	[dreg:$0x2] =	wrdreg s2  }
0xbb: {  	[dreg:$0x3] =	wrdreg s16  }
0xbc: {  	[dreg:$0x4] =	wrdreg s4  }
0xbd: {  	[dreg:$0x5] =	wrdreg s5  }
0xbe: {  	[dreg:$0x6] =	wrdreg s7  }
0xbf: {  	[dreg:$0x7] =	wrdreg s8  }
0xc0: {  	[dreg:$0x8] =	wrdreg s9  }
0xc1: {  	[dreg:$0x9] =	wrdreg s17  }
0xc2: {  	[dreg:$0xa] =	wrdreg s18  }
0xc3: {  	[dreg:$0xb] =	wrdreg $0x9  }
0xc4: {  	_ =	task.clear_ibuf [dreg:s15], $0xCFFFF;
	_ =	strace $0x90000046  }
0xc5: {  	s29 =	simm.s32 $0x9;
	_ =	strace $0x80000048  }
0xc6: {  	_ =	swait.ge [sflag:s29], $0x1  }
0xc7: {  	[sflag:s29] =	ssyncadd.s32 $0xFFFFFFFF  }
0xc8: {  	_ =	strace $0x90000048  }
0xc9: {  	_ =	sfence  }
0xca: {  	s30 =	sld [smem:$0x0];
	_ =	sdelay $0x2  }
0xcb: {  	s31 =	sshll.u32 s1, $0xD;
	s1 =	sshrl.u32 s1, $0x2  }
0xcc: {  	s3 =	sand.u32 $0x4000, s31;
	s1 =	sadd.s32 s1, s30  }
0xcd: {  	s0 =	sor.u32 s3, s0;
	s1 =	sshll.u32 s1, $0x11  }
0xce: {  	s0 =	sor.u32 s1, s0  }
0xcf: {  	s0 =	sadd.s32 $0x8F2B, s0  }
0xd0: {  	[sflag:s0] =	ssyncadd.remote.s32 $0x1  }
0xd1: {  	_ =	sfence.sel $0xFFFF  }
0xd2: {  	[dreg:$0x0] =	wrdreg $0xFFFFFFFF;
	(pc) =	sbr.abs _section_cstart, $3  }
0xd3: {  	[dreg:$0x1] =	wrdreg $0xFFFFFFFF  }
0xd4: {  	_ =	task.clear_ibuf [dreg:s15], $0x2FFFF;
	_ =	strace $0x9FFFFFFF  }
0xd5: {  	(tm) =	ssettm $0x7FFFFFFF  }
tec
execute0_lowered:
.L_overlay_start_1:
0x0: {  	(tag) =	ssettag $0x1  }
0x1: {  	s0 =	rddreg [dreg:$0x0]  }
0x2: {  	s1 =	rddreg [dreg:$0x1]  }
0x3: {  	s5 =	rddreg [dreg:$0x2]  }
0x4: {  	s3 =	rddreg [dreg:$0x3]  }
0x5: {  	s4 =	rddreg [dreg:$0x4]  }
0x6: {  	s6 =	rddreg [dreg:$0x5]  }
0x7: {  	s8 =	rddreg [dreg:$0x6]  }
0x8: {  	s2 =	srdreg.scid;
	s10 =	rddreg [dreg:$0x7]  }
0x9: {  	s11 =	stileid.u32;
	s12 =	rddreg [dreg:$0x8];
	s29 =	simm.s32 $0x80  }
0xa: {  	s30 =	simm.s32 $0x100;
	s31 =	simm.s32 $0x180;
	s7 =	sand.u32 $0x1, s2  }
0xb: {  	s14 =	sshll.u32 s11, $0x8;
	s11 =	sshrl.u32 s11, $0x2;
	s9 =	sshll.u32 s7, $0x7  }
0xc: {  	s2 =	sand.u32 $0x300, s14;
	s14 =	sshll.u32 s11, $0x7;
	s15 =	sshll.u32 s11, $0xB  }
0xd: {  	s19 =	ssub.s32 $0x2, s7;
	s25 =	smul.u32 $0xC0000, s11;
	s7 =	simm.s32 $0x1  }
0xe: {  	s11 =	simm.s32 $0x2;
	s9 =	sor.u32 s9, s2;
	s2 =	simm.s32 $0x0  }
0xf: {  	s23 =	sshrl.u32 s19, $0x1;
	s13 =	sshll.u32 s9, $0x2;
	[smem:$0x7FF] =	sst s2  }
0x10: {  	s13 =	sor.u32 s14, s13;
	_ =	strace $0x80000047;
	[dreg:$0x12] =	wrdreg s29  }
0x11: {  	s9 =	sor.u32 s15, s9;
	[dreg:$0x13] =	wrdreg s30;
	s13 =	sshrl.u32 s13, $0x3  }
0x12: {  	s5 =	sadd.s32 s5, s25;
	[dreg:$0x14] =	wrdreg s31;
	s3 =	sadd.s32 s3, s13  }
0x13: {  	s17 =	sshrl.u32 s9, $0x3;
	s16 =	sadd.s32 s4, s13;
	[dreg:$0xa] =	wrdreg s3  }
0x14: {  	s18 =	sadd.s32 s6, s13;
	s4 =	smul.u32 $0x300, s17;
	[dreg:$0xb] =	wrdreg s16  }
0x15: {  	s20 =	sadd.s32 s8, s13;
	s6 =	ssub.s32 s19, s23;
	[dreg:$0xc] =	wrdreg s18  }
0x16: {  	[dreg:$0xd] =	wrdreg s20;
	s3 =	sadd.s32 s0, s25;
	s21 =	sadd.s32 s12, s4  }
0x17: {  	s22 =	sadd.s32 $0x18000, s4;
	s26 =	sadd.s32 s10, s4;
	[dreg:$0xe] =	wrdreg s21  }
0x18: {  	v2 =	vlaneseq.u32;
	s6 =	smax.u32 s6, $0x1;
	s24 =	sadd.s32 s12, s22;
	[dreg:$0x10] =	wrdreg s26  }
0x19: {  	vm0 =	vmmov $0xffff;
	v1 =	vshrl.u32 v2, $0x3;
	s4 =	sadd.s32 s1, s25;
	s28 =	sadd.s32 s10, s22;
	[dreg:$0xf] =	wrdreg s24  }
0x1a: {  	v0 =	vand.u32 $0x7, v2;
	v2 =	vor.u32 $0x8, v2;
	v1 =	vmul.u32 $0x8, v1;
	s9 =	sadd.s32 $0x100, s3;
	s12 =	simm.s32 $0x3;
	[dreg:$0x11] =	wrdreg s28  }
.LBB2_1:
0x1b: {  	s13 =	rddreg [dreg:$0xa]  }
0x1c: {  	s14 =	rddreg [dreg:$0xb]  }
0x1d: {  	s15 =	rddreg [dreg:$0x12]  }
0x1e: {  	s31 =	rddreg [dreg:$0xc]  }
0x1f: {  	[tilespmem:s2], [sflag:$0x1] =	stream.linear.gather [hbm4b:s13+s2], $0x80, $0x38;
	[tilespmem:$0x18200] =	vst v63  }
0x20: {  	s0 =	rddreg [dreg:$0x13]  }
0x21: {  	[tilespmem:s15], [sflag:$0x1] =	stream.linear.gather [hbm4b:s14+s2], $0x80, $0x38;
	[tilespmem:$0x18200] =	vst v63  }
0x22: {  	s1 =	rddreg [dreg:$0xd]  }
0x23: {  	[tilespmem:s0], [sflag:$0x1] =	stream.linear.gather [hbm4b:s31+s2], $0x80, $0x38;
	[tilespmem:$0x18200] =	vst v63  }
0x24: {  	s16 =	rddreg [dreg:$0x14]  }
0x25: {  	[tilespmem:s16], [sflag:$0x1] =	stream.linear.gather [hbm4b:s1+s2], $0x80, $0x38;
	[tilespmem:$0x18200] =	vst v63  }
0x26: {  	_ =	swait.ge [sflag:s7], $0x80  }
0x27: {  	[sflag:s7] =	ssyncset.done $0x0  }
0x28: {  	[sflag:s7] =	ssyncadd.s32 $0xFFFFFF80  }
0x29: {  	v3 =	vld [tilespmem:$0x0];
	_ =	sdelay $0x4  }
0x2a: {  	v4 =	vshrl.u32 v3, $0x3  }
0x2b: {  	v4 =	vmul.u32 $0x30, v4  }
0x2c: {  	v3 =	vand.u32 $0x7, v3  }
0x2d: {  	v3 =	vor.u32 v3, v4  }
0x2e: {  	v4 =	vperm.xlane v3, v0;
	_ =	sdelay $0x1  }
0x2f: {  	v4 =	vadd.s32 v1, v4;
	_ =	sdelay $0x3  }
0x30: {  	s16 =	simm.s32 $0x200;
	v3 =	vperm.xlane v3, v2  }
0x31: {  	[tilespmem:s16], [sflag:$0x2] =	stream.indirect_vreg.gather [hbm4b:s3+s2], $0x80, v4, vm0, $0xb8;
	[tilespmem:$0x18200] =	vst v63  }
0x32: {  	s0 =	simm.s32 $0xA00;
	v3 =	vadd.s32 v1, v3  }
0x33: {  	[tilespmem:s0], [sflag:$0x2] =	stream.indirect_vreg.gather [hbm4b:s9+s2], $0x80, v4, vm0, $0xb8;
	[tilespmem:$0x18200] =	vst v63  }
0x34: {  	s8 =	simm.s32 $0x1200;
	s13 =	sadd.s32 $0x200, s3  }
0x35: {  	[tilespmem:s8], [sflag:$0x2] =	stream.indirect_vreg.gather [hbm4b:s13+s2], $0x80, v4, vm0, $0xb8;
	[tilespmem:$0x18200] =	vst v63  }
0x36: {  	s10 =	simm.s32 $0x1A00  }
0x37: {  	[tilespmem:s10], [sflag:$0x2] =	stream.indirect_vreg.gather [hbm4b:s3+s2], $0x80, v3, vm0, $0xb8;
	[tilespmem:$0x18200] =	vst v63  }
0x38: {  	s14 =	simm.s32 $0x2200  }
0x39: {  	[tilespmem:s14], [sflag:$0x2] =	stream.indirect_vreg.gather [hbm4b:s9+s2], $0x80, v3, vm0, $0xb8;
	[tilespmem:$0x18200] =	vst v63  }
0x3a: {  	s17 =	simm.s32 $0x2A00  }
0x3b: {  	[tilespmem:s17], [sflag:$0x2] =	stream.indirect_vreg.gather [hbm4b:s13+s2], $0x80, v3, vm0, $0xb8;
	[tilespmem:$0x18200] =	vst v63  }
0x3c: {  	v3 =	vld [tilespmem:$0x10];
	_ =	sdelay $0x4  }
0x3d: {  	v33 =	vshrl.u32 v3, $0x3  }
0x3e: {  	v4 =	vmul.u32 $0x30, v33  }
0x3f: {  	v3 =	vand.u32 $0x7, v3  }
0x40: {  	v3 =	vor.u32 v3, v4  }
0x41: {  	v4 =	vperm.xlane v3, v0;
	_ =	sdelay $0x1  }
0x42: {  	v4 =	vadd.s32 v1, v4;
	_ =	sdelay $0x3  }
0x43: {  	s18 =	simm.s32 $0x3200;
	v3 =	vperm.xlane v3, v2  }
0x44: {  	[tilespmem:s18], [sflag:$0x2] =	stream.indirect_vreg.gather [hbm4b:s3+s2], $0x80, v4, vm0, $0xb8;
	[tilespmem:$0x18200] =	vst v63  }
0x45: {  	s19 =	simm.s32 $0x3A00;
	v3 =	vadd.s32 v1, v3  }
0x46: {  	[tilespmem:s19], [sflag:$0x2] =	stream.indirect_vreg.gather [hbm4b:s9+s2], $0x80, v4, vm0, $0xb8;
	[tilespmem:$0x18200] =	vst v63  }
0x47: {  	s20 =	simm.s32 $0x4200  }
0x48: {  	[tilespmem:s20], [sflag:$0x2] =	stream.indirect_vreg.gather [hbm4b:s13+s2], $0x80, v4, vm0, $0xb8;
	[tilespmem:$0x18200] =	vst v63  }
0x49: {  	s21 =	simm.s32 $0x4A00  }
0x4a: {  	[tilespmem:s21], [sflag:$0x2] =	stream.indirect_vreg.gather [hbm4b:s3+s2], $0x80, v3, vm0, $0xb8;
	[tilespmem:$0x18200] =	vst v63  }
0x4b: {  	s22 =	simm.s32 $0x5200  }
0x4c: {  	[tilespmem:s22], [sflag:$0x2] =	stream.indirect_vreg.gather [hbm4b:s9+s2], $0x80, v3, vm0, $0xb8;
	[tilespmem:$0x18200] =	vst v63  }
0x4d: {  	s23 =	simm.s32 $0x5A00  }
0x4e: {  	[tilespmem:s23], [sflag:$0x2] =	stream.indirect_vreg.gather [hbm4b:s13+s2], $0x80, v3, vm0, $0xb8;
	[tilespmem:$0x18200] =	vst v63  }
0x4f: {  	v3 =	vld [tilespmem:$0x20];
	_ =	sdelay $0x4  }
0x50: {  	v34 =	vshrl.u32 v3, $0x3  }
0x51: {  	v4 =	vmul.u32 $0x30, v34  }
0x52: {  	v3 =	vand.u32 $0x7, v3  }
0x53: {  	v3 =	vor.u32 v3, v4  }
0x54: {  	v4 =	vperm.xlane v3, v0;
	_ =	sdelay $0x1  }
0x55: {  	v4 =	vadd.s32 v1, v4;
	_ =	sdelay $0x3  }
0x56: {  	s24 =	simm.s32 $0x6200;
	v3 =	vperm.xlane v3, v2  }
0x57: {  	[tilespmem:s24], [sflag:$0x2] =	stream.indirect_vreg.gather [hbm4b:s3+s2], $0x80, v4, vm0, $0xb8;
	[tilespmem:$0x18200] =	vst v63  }
0x58: {  	s25 =	simm.s32 $0x6A00;
	v3 =	vadd.s32 v1, v3  }
0x59: {  	[tilespmem:s25], [sflag:$0x2] =	stream.indirect_vreg.gather [hbm4b:s9+s2], $0x80, v4, vm0, $0xb8;
	[tilespmem:$0x18200] =	vst v63  }
0x5a: {  	s26 =	simm.s32 $0x7200  }
0x5b: {  	[tilespmem:s26], [sflag:$0x2] =	stream.indirect_vreg.gather [hbm4b:s13+s2], $0x80, v4, vm0, $0xb8;
	[tilespmem:$0x18200] =	vst v63  }
0x5c: {  	s28 =	simm.s32 $0x7A00  }
0x5d: {  	[tilespmem:s28], [sflag:$0x2] =	stream.indirect_vreg.gather [hbm4b:s3+s2], $0x80, v3, vm0, $0xb8;
	[tilespmem:$0x18200] =	vst v63  }
0x5e: {  	s29 =	simm.s32 $0x8200  }
0x5f: {  	[tilespmem:s29], [sflag:$0x2] =	stream.indirect_vreg.gather [hbm4b:s9+s2], $0x80, v3, vm0, $0xb8;
	[tilespmem:$0x18200] =	vst v63  }
0x60: {  	s30 =	simm.s32 $0x8A00  }
0x61: {  	[tilespmem:s30], [sflag:$0x2] =	stream.indirect_vreg.gather [hbm4b:s13+s2], $0x80, v3, vm0, $0xb8;
	[tilespmem:$0x18200] =	vst v63  }
0x62: {  	v3 =	vld [tilespmem:$0x30];
	_ =	sdelay $0x4  }
0x63: {  	v35 =	vshrl.u32 v3, $0x3  }
0x64: {  	v4 =	vmul.u32 $0x30, v35  }
0x65: {  	v3 =	vand.u32 $0x7, v3  }
0x66: {  	v3 =	vor.u32 v3, v4  }
0x67: {  	v4 =	vperm.xlane v3, v0;
	_ =	sdelay $0x1  }
0x68: {  	v4 =	vadd.s32 v1, v4;
	_ =	sdelay $0x3  }
0x69: {  	s31 =	simm.s32 $0x9200;
	v3 =	vperm.xlane v3, v2  }
0x6a: {  	[tilespmem:s31], [sflag:$0x2] =	stream.indirect_vreg.gather [hbm4b:s3+s2], $0x80, v4, vm0, $0xb8;
	[tilespmem:$0x18200] =	vst v63  }
0x6b: {  	s1 =	simm.s32 $0x9A00;
	v3 =	vadd.s32 v1, v3  }
0x6c: {  	[tilespmem:s1], [sflag:$0x2] =	stream.indirect_vreg.gather [hbm4b:s9+s2], $0x80, v4, vm0, $0xb8;
	[tilespmem:$0x18200] =	vst v63  }
0x6d: {  	s8 =	simm.s32 $0xA200  }
0x6e: {  	[tilespmem:s8], [sflag:$0x2] =	stream.indirect_vreg.gather [hbm4b:s13+s2], $0x80, v4, vm0, $0xb8;
	[tilespmem:$0x18200] =	vst v63  }
0x6f: {  	s10 =	simm.s32 $0xAA00  }
0x70: {  	[tilespmem:s10], [sflag:$0x2] =	stream.indirect_vreg.gather [hbm4b:s3+s2], $0x80, v3, vm0, $0xb8;
	[tilespmem:$0x18200] =	vst v63  }
0x71: {  	s19 =	simm.s32 $0xB200  }
0x72: {  	[tilespmem:s19], [sflag:$0x2] =	stream.indirect_vreg.gather [hbm4b:s9+s2], $0x80, v3, vm0, $0xb8;
	[tilespmem:$0x18200] =	vst v63  }
0x73: {  	s20 =	simm.s32 $0xBA00  }
0x74: {  	[tilespmem:s20], [sflag:$0x2] =	stream.indirect_vreg.gather [hbm4b:s13+s2], $0x80, v3, vm0, $0xb8;
	[tilespmem:$0x18200] =	vst v63  }
0x75: {  	v3 =	vld [tilespmem:$0x40];
	_ =	sdelay $0x4  }
0x76: {  	v36 =	vshrl.u32 v3, $0x3  }
0x77: {  	v4 =	vmul.u32 $0x30, v36  }
0x78: {  	v3 =	vand.u32 $0x7, v3  }
0x79: {  	v3 =	vor.u32 v3, v4  }
0x7a: {  	v4 =	vperm.xlane v3, v0;
	_ =	sdelay $0x1  }
0x7b: {  	v4 =	vadd.s32 v1, v4;
	_ =	sdelay $0x3  }
0x7c: {  	s23 =	simm.s32 $0xC200;
	v3 =	vperm.xlane v3, v2  }
0x7d: {  	[tilespmem:s23], [sflag:$0x2] =	stream.indirect_vreg.gather [hbm4b:s3+s2], $0x80, v4, vm0, $0xb8;
	[tilespmem:$0x18200] =	vst v63  }
0x7e: {  	s24 =	simm.s32 $0xCA00;
	v3 =	vadd.s32 v1, v3  }
0x7f: {  	[tilespmem:s24], [sflag:$0x2] =	stream.indirect_vreg.gather [hbm4b:s9+s2], $0x80, v4, vm0, $0xb8;
	[tilespmem:$0x18200] =	vst v63  }
0x80: {  	s25 =	simm.s32 $0xD200  }
0x81: {  	[tilespmem:s25], [sflag:$0x2] =	stream.indirect_vreg.gather [hbm4b:s13+s2], $0x80, v4, vm0, $0xb8;
	[tilespmem:$0x18200] =	vst v63  }
0x82: {  	s26 =	simm.s32 $0xDA00  }
0x83: {  	[tilespmem:s26], [sflag:$0x2] =	stream.indirect_vreg.gather [hbm4b:s3+s2], $0x80, v3, vm0, $0xb8;
	[tilespmem:$0x18200] =	vst v63  }
0x84: {  	s28 =	simm.s32 $0xE200  }
0x85: {  	[tilespmem:s28], [sflag:$0x2] =	stream.indirect_vreg.gather [hbm4b:s9+s2], $0x80, v3, vm0, $0xb8;
	[tilespmem:$0x18200] =	vst v63  }
0x86: {  	s29 =	simm.s32 $0xEA00  }
0x87: {  	[tilespmem:s29], [sflag:$0x2] =	stream.indirect_vreg.gather [hbm4b:s13+s2], $0x80, v3, vm0, $0xb8;
	[tilespmem:$0x18200] =	vst v63  }
0x88: {  	v3 =	vld [tilespmem:$0x50];
	_ =	sdelay $0x4  }
0x89: {  	v37 =	vshrl.u32 v3, $0x3  }
0x8a: {  	v4 =	vmul.u32 $0x30, v37  }
0x8b: {  	v3 =	vand.u32 $0x7, v3  }
0x8c: {  	v3 =	vor.u32 v3, v4  }
0x8d: {  	v4 =	vperm.xlane v3, v0;
	_ =	sdelay $0x1  }
0x8e: {  	v4 =	vadd.s32 v1, v4;
	_ =	sdelay $0x3  }
0x8f: {  	s30 =	simm.s32 $0xF200;
	v3 =	vperm.xlane v3, v2  }
0x90: {  	[tilespmem:s30], [sflag:$0x2] =	stream.indirect_vreg.gather [hbm4b:s3+s2], $0x80, v4, vm0, $0xb8;
	[tilespmem:$0x18200] =	vst v63  }
0x91: {  	s0 =	simm.s32 $0xFA00;
	v3 =	vadd.s32 v1, v3  }
0x92: {  	[tilespmem:s0], [sflag:$0x2] =	stream.indirect_vreg.gather [hbm4b:s9+s2], $0x80, v4, vm0, $0xb8;
	[tilespmem:$0x18200] =	vst v63  }
0x93: {  	s8 =	simm.s32 $0x10200  }
0x94: {  	[tilespmem:s8], [sflag:$0x2] =	stream.indirect_vreg.gather [hbm4b:s13+s2], $0x80, v4, vm0, $0xb8;
	[tilespmem:$0x18200] =	vst v63  }
0x95: {  	s10 =	simm.s32 $0x10A00  }
0x96: {  	[tilespmem:s10], [sflag:$0x2] =	stream.indirect_vreg.gather [hbm4b:s3+s2], $0x80, v3, vm0, $0xb8;
	[tilespmem:$0x18200] =	vst v63  }
0x97: {  	s19 =	simm.s32 $0x11200  }
0x98: {  	[tilespmem:s19], [sflag:$0x2] =	stream.indirect_vreg.gather [hbm4b:s9+s2], $0x80, v3, vm0, $0xb8;
	[tilespmem:$0x18200] =	vst v63  }
0x99: {  	s20 =	simm.s32 $0x11A00  }
0x9a: {  	[tilespmem:s20], [sflag:$0x2] =	stream.indirect_vreg.gather [hbm4b:s13+s2], $0x80, v3, vm0, $0xb8;
	[tilespmem:$0x18200] =	vst v63  }
0x9b: {  	v3 =	vld [tilespmem:$0x60];
	_ =	sdelay $0x4  }
0x9c: {  	v38 =	vshrl.u32 v3, $0x3  }
0x9d: {  	v4 =	vmul.u32 $0x30, v38  }
0x9e: {  	v3 =	vand.u32 $0x7, v3  }
0x9f: {  	v3 =	vor.u32 v3, v4  }
0xa0: {  	v4 =	vperm.xlane v3, v0;
	_ =	sdelay $0x1  }
0xa1: {  	v4 =	vadd.s32 v1, v4;
	_ =	sdelay $0x3  }
0xa2: {  	s23 =	simm.s32 $0x12200;
	v3 =	vperm.xlane v3, v2  }
0xa3: {  	[tilespmem:s23], [sflag:$0x2] =	stream.indirect_vreg.gather [hbm4b:s3+s2], $0x80, v4, vm0, $0xb8;
	[tilespmem:$0x18200] =	vst v63  }
0xa4: {  	s24 =	simm.s32 $0x12A00;
	v3 =	vadd.s32 v1, v3  }
0xa5: {  	[tilespmem:s24], [sflag:$0x2] =	stream.indirect_vreg.gather [hbm4b:s9+s2], $0x80, v4, vm0, $0xb8;
	[tilespmem:$0x18200] =	vst v63  }
0xa6: {  	s25 =	simm.s32 $0x13200  }
0xa7: {  	[tilespmem:s25], [sflag:$0x2] =	stream.indirect_vreg.gather [hbm4b:s13+s2], $0x80, v4, vm0, $0xb8;
	[tilespmem:$0x18200] =	vst v63  }
0xa8: {  	s29 =	simm.s32 $0x13A00  }
0xa9: {  	[tilespmem:s29], [sflag:$0x2] =	stream.indirect_vreg.gather [hbm4b:s3+s2], $0x80, v3, vm0, $0xb8;
	[tilespmem:$0x18200] =	vst v63  }
0xaa: {  	s30 =	simm.s32 $0x14200  }
0xab: {  	[tilespmem:s30], [sflag:$0x2] =	stream.indirect_vreg.gather [hbm4b:s9+s2], $0x80, v3, vm0, $0xb8;
	[tilespmem:$0x18200] =	vst v63  }
0xac: {  	s0 =	simm.s32 $0x14A00  }
0xad: {  	[tilespmem:s0], [sflag:$0x2] =	stream.indirect_vreg.gather [hbm4b:s13+s2], $0x80, v3, vm0, $0xb8;
	[tilespmem:$0x18200] =	vst v63  }
0xae: {  	v3 =	vld [tilespmem:$0x70];
	_ =	sdelay $0x4  }
0xaf: {  	v39 =	vshrl.u32 v3, $0x3  }
0xb0: {  	v4 =	vmul.u32 $0x30, v39  }
0xb1: {  	v3 =	vand.u32 $0x7, v3  }
0xb2: {  	v3 =	vor.u32 v3, v4  }
0xb3: {  	v4 =	vperm.xlane v3, v0;
	_ =	sdelay $0x1  }
0xb4: {  	v4 =	vadd.s32 v1, v4;
	_ =	sdelay $0x3  }
0xb5: {  	s8 =	simm.s32 $0x15200;
	v3 =	vperm.xlane v3, v2  }
0xb6: {  	[tilespmem:s8], [sflag:$0x2] =	stream.indirect_vreg.gather [hbm4b:s3+s2], $0x80, v4, vm0, $0xb8;
	[tilespmem:$0x18200] =	vst v63  }
0xb7: {  	s10 =	simm.s32 $0x15A00;
	v3 =	vadd.s32 v1, v3  }
0xb8: {  	[tilespmem:s10], [sflag:$0x2] =	stream.indirect_vreg.gather [hbm4b:s9+s2], $0x80, v4, vm0, $0xb8;
	[tilespmem:$0x18200] =	vst v63  }
0xb9: {  	s19 =	simm.s32 $0x16200  }
0xba: {  	[tilespmem:s19], [sflag:$0x2] =	stream.indirect_vreg.gather [hbm4b:s13+s2], $0x80, v4, vm0, $0xb8;
	[tilespmem:$0x18200] =	vst v63  }
0xbb: {  	s20 =	simm.s32 $0x16A00  }
0xbc: {  	[tilespmem:s20], [sflag:$0x2] =	stream.indirect_vreg.gather [hbm4b:s3+s2], $0x80, v3, vm0, $0xb8;
	[tilespmem:$0x18200] =	vst v63  }
0xbd: {  	s23 =	simm.s32 $0x17200  }
0xbe: {  	[tilespmem:s23], [sflag:$0x2] =	stream.indirect_vreg.gather [hbm4b:s9+s2], $0x80, v3, vm0, $0xb8;
	[tilespmem:$0x18200] =	vst v63  }
0xbf: {  	s24 =	simm.s32 $0x17A00  }
0xc0: {  	[tilespmem:s24], [sflag:$0x2] =	stream.indirect_vreg.gather [hbm4b:s13+s2], $0x80, v3, vm0, $0xb8;
	[tilespmem:$0x18200] =	vst v63  }
0xc1: {  	_ =	swait.ge [sflag:s11], $0x18000  }
0xc2: {  	[sflag:s11] =	ssyncset.done $0x0  }
0xc3: {  	s25 =	rddreg [dreg:$0xe];
	[sflag:s11] =	ssyncadd.s32 $0xFFFE8000  }
0xc4: {  	[hbm4b:s25+s2] =	stream.linear.scatter [tilespmem:s16], [sflag:$0x3], $0x18000, $0x38;
	[tilespmem:$0x18200] =	vst v63  }
0xc5: {  	_ =	swait.ge [sflag:s7], $0x80  }
0xc6: {  	[sflag:s7] =	ssyncset.done $0x0  }
0xc7: {  	[sflag:s7] =	ssyncadd.s32 $0xFFFFFF80  }
0xc8: {  	_ =	swait.ge [sflag:s12], $0x18000  }
0xc9: {  	[sflag:s12] =	ssyncset.done $0x0  }
0xca: {  	[sflag:s12] =	ssyncadd.s32 $0xFFFE8000  }
0xcb: {  	v3 =	vld [tilespmem:$0x80];
	_ =	sdelay $0x4  }
0xcc: {  	v40 =	vshrl.u32 v3, $0x3  }
0xcd: {  	v4 =	vmul.u32 $0x30, v40  }
0xce: {  	v3 =	vand.u32 $0x7, v3  }
0xcf: {  	v3 =	vor.u32 v3, v4  }
0xd0: {  	v4 =	vperm.xlane v3, v0;
	_ =	sdelay $0x1  }
0xd1: {  	v4 =	vadd.s32 v1, v4;
	_ =	sdelay $0x3  }
0xd2: {  	v3 =	vperm.xlane v3, v2  }
0xd3: {  	[tilespmem:s16], [sflag:$0x2] =	stream.indirect_vreg.gather [hbm4b:s4+s2], $0x80, v4, vm0, $0xb8;
	[tilespmem:$0x18200] =	vst v63  }
0xd4: {  	s15 =	simm.s32 $0xA00;
	s13 =	sadd.s32 $0x100, s4;
	v3 =	vadd.s32 v1, v3  }
0xd5: {  	[tilespmem:s15], [sflag:$0x2] =	stream.indirect_vreg.gather [hbm4b:s13+s2], $0x80, v4, vm0, $0xb8;
	[tilespmem:$0x18200] =	vst v63  }
0xd6: {  	s14 =	sadd.s32 $0x200, s4;
	s0 =	simm.s32 $0x1200  }
0xd7: {  	[tilespmem:s0], [sflag:$0x2] =	stream.indirect_vreg.gather [hbm4b:s14+s2], $0x80, v4, vm0, $0xb8;
	[tilespmem:$0x18200] =	vst v63  }
0xd8: {  	s8 =	simm.s32 $0x1A00  }
0xd9: {  	[tilespmem:s8], [sflag:$0x2] =	stream.indirect_vreg.gather [hbm4b:s4+s2], $0x80, v3, vm0, $0xb8;
	[tilespmem:$0x18200] =	vst v63  }
0xda: {  	s10 =	simm.s32 $0x2200  }
0xdb: {  	[tilespmem:s10], [sflag:$0x2] =	stream.indirect_vreg.gather [hbm4b:s13+s2], $0x80, v3, vm0, $0xb8;
	[tilespmem:$0x18200] =	vst v63  }
0xdc: {  	s17 =	simm.s32 $0x2A00  }
0xdd: {  	[tilespmem:s17], [sflag:$0x2] =	stream.indirect_vreg.gather [hbm4b:s14+s2], $0x80, v3, vm0, $0xb8;
	[tilespmem:$0x18200] =	vst v63  }
0xde: {  	v3 =	vld [tilespmem:$0x90];
	_ =	sdelay $0x4  }
0xdf: {  	v41 =	vshrl.u32 v3, $0x3  }
0xe0: {  	v4 =	vmul.u32 $0x30, v41  }
0xe1: {  	v3 =	vand.u32 $0x7, v3  }
0xe2: {  	v3 =	vor.u32 v3, v4  }
0xe3: {  	v4 =	vperm.xlane v3, v0;
	_ =	sdelay $0x1  }
0xe4: {  	v4 =	vadd.s32 v1, v4;
	_ =	sdelay $0x3  }
0xe5: {  	s18 =	simm.s32 $0x3200;
	v3 =	vperm.xlane v3, v2  }
0xe6: {  	[tilespmem:s18], [sflag:$0x2] =	stream.indirect_vreg.gather [hbm4b:s4+s2], $0x80, v4, vm0, $0xb8;
	[tilespmem:$0x18200] =	vst v63  }
0xe7: {  	s17 =	simm.s32 $0x3A00;
	v3 =	vadd.s32 v1, v3  }
0xe8: {  	[tilespmem:s17], [sflag:$0x2] =	stream.indirect_vreg.gather [hbm4b:s13+s2], $0x80, v4, vm0, $0xb8;
	[tilespmem:$0x18200] =	vst v63  }
0xe9: {  	s18 =	simm.s32 $0x4200  }
0xea: {  	[tilespmem:s18], [sflag:$0x2] =	stream.indirect_vreg.gather [hbm4b:s14+s2], $0x80, v4, vm0, $0xb8;
	[tilespmem:$0x18200] =	vst v63  }
0xeb: {  	s19 =	simm.s32 $0x4A00  }
0xec: {  	[tilespmem:s19], [sflag:$0x2] =	stream.indirect_vreg.gather [hbm4b:s4+s2], $0x80, v3, vm0, $0xb8;
	[tilespmem:$0x18200] =	vst v63  }
0xed: {  	s20 =	simm.s32 $0x5200  }
0xee: {  	[tilespmem:s20], [sflag:$0x2] =	stream.indirect_vreg.gather [hbm4b:s13+s2], $0x80, v3, vm0, $0xb8;
	[tilespmem:$0x18200] =	vst v63  }
0xef: {  	s21 =	simm.s32 $0x5A00  }
0xf0: {  	[tilespmem:s21], [sflag:$0x2] =	stream.indirect_vreg.gather [hbm4b:s14+s2], $0x80, v3, vm0, $0xb8;
	[tilespmem:$0x18200] =	vst v63  }
0xf1: {  	v3 =	vld [tilespmem:$0xA0];
	_ =	sdelay $0x4  }
0xf2: {  	v42 =	vshrl.u32 v3, $0x3  }
0xf3: {  	v4 =	vmul.u32 $0x30, v42  }
0xf4: {  	v3 =	vand.u32 $0x7, v3  }
0xf5: {  	v3 =	vor.u32 v3, v4  }
0xf6: {  	v4 =	vperm.xlane v3, v0;
	_ =	sdelay $0x1  }
0xf7: {  	v4 =	vadd.s32 v1, v4;
	_ =	sdelay $0x3  }
0xf8: {  	s22 =	simm.s32 $0x6200;
	v3 =	vperm.xlane v3, v2  }
0xf9: {  	[tilespmem:s22], [sflag:$0x2] =	stream.indirect_vreg.gather [hbm4b:s4+s2], $0x80, v4, vm0, $0xb8;
	[tilespmem:$0x18200] =	vst v63  }
0xfa: {  	s21 =	simm.s32 $0x6A00;
	v3 =	vadd.s32 v1, v3  }
0xfb: {  	[tilespmem:s21], [sflag:$0x2] =	stream.indirect_vreg.gather [hbm4b:s13+s2], $0x80, v4, vm0, $0xb8;
	[tilespmem:$0x18200] =	vst v63  }
0xfc: {  	s22 =	simm.s32 $0x7200  }
0xfd: {  	[tilespmem:s22], [sflag:$0x2] =	stream.indirect_vreg.gather [hbm4b:s14+s2], $0x80, v4, vm0, $0xb8;
	[tilespmem:$0x18200] =	vst v63  }
0xfe: {  	s23 =	simm.s32 $0x7A00  }
0xff: {  	[tilespmem:s23], [sflag:$0x2] =	stream.indirect_vreg.gather [hbm4b:s4+s2], $0x80, v3, vm0, $0xb8;
	[tilespmem:$0x18200] =	vst v63  }
0x100: {  	s15 =	simm.s32 $0x8200  }
0x101: {  	[tilespmem:s15], [sflag:$0x2] =	stream.indirect_vreg.gather [hbm4b:s13+s2], $0x80, v3, vm0, $0xb8;
	[tilespmem:$0x18200] =	vst v63  }
0x102: {  	s24 =	simm.s32 $0x8A00  }
0x103: {  	[tilespmem:s24], [sflag:$0x2] =	stream.indirect_vreg.gather [hbm4b:s14+s2], $0x80, v3, vm0, $0xb8;
	[tilespmem:$0x18200] =	vst v63  }
0x104: {  	v3 =	vld [tilespmem:$0xB0];
	_ =	sdelay $0x4  }
0x105: {  	v43 =	vshrl.u32 v3, $0x3  }
0x106: {  	v4 =	vmul.u32 $0x30, v43  }
0x107: {  	v3 =	vand.u32 $0x7, v3  }
0x108: {  	v3 =	vor.u32 v3, v4  }
0x109: {  	v4 =	vperm.xlane v3, v0;
	_ =	sdelay $0x1  }
0x10a: {  	v4 =	vadd.s32 v1, v4;
	_ =	sdelay $0x3  }
0x10b: {  	s25 =	simm.s32 $0x9200;
	v3 =	vperm.xlane v3, v2  }
0x10c: {  	[tilespmem:s25], [sflag:$0x2] =	stream.indirect_vreg.gather [hbm4b:s4+s2], $0x80, v4, vm0, $0xb8;
	[tilespmem:$0x18200] =	vst v63  }
0x10d: {  	s1 =	simm.s32 $0x9A00;
	v3 =	vadd.s32 v1, v3  }
0x10e: {  	[tilespmem:s1], [sflag:$0x2] =	stream.indirect_vreg.gather [hbm4b:s13+s2], $0x80, v4, vm0, $0xb8;
	[tilespmem:$0x18200] =	vst v63  }
0x10f: {  	s1 =	simm.s32 $0xA200  }
0x110: {  	[tilespmem:s1], [sflag:$0x2] =	stream.indirect_vreg.gather [hbm4b:s14+s2], $0x80, v4, vm0, $0xb8;
	[tilespmem:$0x18200] =	vst v63  }
0x111: {  	s1 =	simm.s32 $0xAA00  }
0x112: {  	[tilespmem:s1], [sflag:$0x2] =	stream.indirect_vreg.gather [hbm4b:s4+s2], $0x80, v3, vm0, $0xb8;
	[tilespmem:$0x18200] =	vst v63  }
0x113: {  	s1 =	simm.s32 $0xB200  }
0x114: {  	[tilespmem:s1], [sflag:$0x2] =	stream.indirect_vreg.gather [hbm4b:s13+s2], $0x80, v3, vm0, $0xb8;
	[tilespmem:$0x18200] =	vst v63  }
0x115: {  	s1 =	simm.s32 $0xBA00  }
0x116: {  	[tilespmem:s1], [sflag:$0x2] =	stream.indirect_vreg.gather [hbm4b:s14+s2], $0x80, v3, vm0, $0xb8;
	[tilespmem:$0x18200] =	vst v63  }
0x117: {  	v3 =	vld [tilespmem:$0xC0];
	_ =	sdelay $0x4  }
0x118: {  	v44 =	vshrl.u32 v3, $0x3  }
0x119: {  	v4 =	vmul.u32 $0x30, v44  }
0x11a: {  	v3 =	vand.u32 $0x7, v3  }
0x11b: {  	v3 =	vor.u32 v3, v4  }
0x11c: {  	v4 =	vperm.xlane v3, v0;
	_ =	sdelay $0x1  }
0x11d: {  	v4 =	vadd.s32 v1, v4;
	_ =	sdelay $0x3  }
0x11e: {  	s31 =	simm.s32 $0xC200;
	v3 =	vperm.xlane v3, v2  }
0x11f: {  	[tilespmem:s31], [sflag:$0x2] =	stream.indirect_vreg.gather [hbm4b:s4+s2], $0x80, v4, vm0, $0xb8;
	[tilespmem:$0x18200] =	vst v63  }
0x120: {  	s1 =	simm.s32 $0xCA00;
	v3 =	vadd.s32 v1, v3  }
0x121: {  	[tilespmem:s1], [sflag:$0x2] =	stream.indirect_vreg.gather [hbm4b:s13+s2], $0x80, v4, vm0, $0xb8;
	[tilespmem:$0x18200] =	vst v63  }
0x122: {  	s1 =	simm.s32 $0xD200  }
0x123: {  	[tilespmem:s1], [sflag:$0x2] =	stream.indirect_vreg.gather [hbm4b:s14+s2], $0x80, v4, vm0, $0xb8;
	[tilespmem:$0x18200] =	vst v63  }
0x124: {  	s1 =	simm.s32 $0xDA00  }
0x125: {  	[tilespmem:s1], [sflag:$0x2] =	stream.indirect_vreg.gather [hbm4b:s4+s2], $0x80, v3, vm0, $0xb8;
	[tilespmem:$0x18200] =	vst v63  }
0x126: {  	s1 =	simm.s32 $0xE200  }
0x127: {  	[tilespmem:s1], [sflag:$0x2] =	stream.indirect_vreg.gather [hbm4b:s13+s2], $0x80, v3, vm0, $0xb8;
	[tilespmem:$0x18200] =	vst v63  }
0x128: {  	s1 =	simm.s32 $0xEA00  }
0x129: {  	[tilespmem:s1], [sflag:$0x2] =	stream.indirect_vreg.gather [hbm4b:s14+s2], $0x80, v3, vm0, $0xb8;
	[tilespmem:$0x18200] =	vst v63  }
0x12a: {  	v3 =	vld [tilespmem:$0xD0];
	_ =	sdelay $0x4  }
0x12b: {  	v45 =	vshrl.u32 v3, $0x3  }
0x12c: {  	v4 =	vmul.u32 $0x30, v45  }
0x12d: {  	v3 =	vand.u32 $0x7, v3  }
0x12e: {  	v3 =	vor.u32 v3, v4  }
0x12f: {  	v4 =	vperm.xlane v3, v0;
	_ =	sdelay $0x1  }
0x130: {  	v4 =	vadd.s32 v1, v4;
	_ =	sdelay $0x3  }
0x131: {  	s1 =	simm.s32 $0xF200;
	v3 =	vperm.xlane v3, v2  }
0x132: {  	[tilespmem:s1], [sflag:$0x2] =	stream.indirect_vreg.gather [hbm4b:s4+s2], $0x80, v4, vm0, $0xb8;
	[tilespmem:$0x18200] =	vst v63  }
0x133: {  	v3 =	vadd.s32 v1, v3;
	s1 =	simm.s32 $0xFA00  }
0x134: {  	[tilespmem:s1], [sflag:$0x2] =	stream.indirect_vreg.gather [hbm4b:s13+s2], $0x80, v4, vm0, $0xb8;
	[tilespmem:$0x18200] =	vst v63  }
0x135: {  	s1 =	simm.s32 $0x10200  }
0x136: {  	[tilespmem:s1], [sflag:$0x2] =	stream.indirect_vreg.gather [hbm4b:s14+s2], $0x80, v4, vm0, $0xb8;
	[tilespmem:$0x18200] =	vst v63  }
0x137: {  	s1 =	simm.s32 $0x10A00  }
0x138: {  	[tilespmem:s1], [sflag:$0x2] =	stream.indirect_vreg.gather [hbm4b:s4+s2], $0x80, v3, vm0, $0xb8;
	[tilespmem:$0x18200] =	vst v63  }
0x139: {  	s1 =	simm.s32 $0x11200  }
0x13a: {  	[tilespmem:s1], [sflag:$0x2] =	stream.indirect_vreg.gather [hbm4b:s13+s2], $0x80, v3, vm0, $0xb8;
	[tilespmem:$0x18200] =	vst v63  }
0x13b: {  	s28 =	simm.s32 $0x11A00  }
0x13c: {  	[tilespmem:s28], [sflag:$0x2] =	stream.indirect_vreg.gather [hbm4b:s14+s2], $0x80, v3, vm0, $0xb8;
	[tilespmem:$0x18200] =	vst v63  }
0x13d: {  	v3 =	vld [tilespmem:$0xE0];
	_ =	sdelay $0x4  }
0x13e: {  	v46 =	vshrl.u32 v3, $0x3  }
0x13f: {  	v4 =	vmul.u32 $0x30, v46  }
0x140: {  	v3 =	vand.u32 $0x7, v3  }
0x141: {  	v3 =	vor.u32 v3, v4  }
0x142: {  	v4 =	vperm.xlane v3, v0;
	_ =	sdelay $0x1  }
0x143: {  	v4 =	vadd.s32 v1, v4;
	_ =	sdelay $0x3  }
0x144: {  	s26 =	simm.s32 $0x12200;
	v3 =	vperm.xlane v3, v2  }
0x145: {  	[tilespmem:s26], [sflag:$0x2] =	stream.indirect_vreg.gather [hbm4b:s4+s2], $0x80, v4, vm0, $0xb8;
	[tilespmem:$0x18200] =	vst v63  }
0x146: {  	v3 =	vadd.s32 v1, v3;
	s26 =	simm.s32 $0x12A00  }
0x147: {  	[tilespmem:s26], [sflag:$0x2] =	stream.indirect_vreg.gather [hbm4b:s13+s2], $0x80, v4, vm0, $0xb8;
	[tilespmem:$0x18200] =	vst v63  }
0x148: {  	s28 =	simm.s32 $0x13200  }
0x149: {  	[tilespmem:s28], [sflag:$0x2] =	stream.indirect_vreg.gather [hbm4b:s14+s2], $0x80, v4, vm0, $0xb8;
	[tilespmem:$0x18200] =	vst v63  }
0x14a: {  	s26 =	simm.s32 $0x13A00  }
0x14b: {  	[tilespmem:s26], [sflag:$0x2] =	stream.indirect_vreg.gather [hbm4b:s4+s2], $0x80, v3, vm0, $0xb8;
	[tilespmem:$0x18200] =	vst v63  }
0x14c: {  	s28 =	simm.s32 $0x14200  }
0x14d: {  	[tilespmem:s28], [sflag:$0x2] =	stream.indirect_vreg.gather [hbm4b:s13+s2], $0x80, v3, vm0, $0xb8;
	[tilespmem:$0x18200] =	vst v63  }
0x14e: {  	s30 =	simm.s32 $0x14A00  }
0x14f: {  	[tilespmem:s30], [sflag:$0x2] =	stream.indirect_vreg.gather [hbm4b:s14+s2], $0x80, v3, vm0, $0xb8;
	[tilespmem:$0x18200] =	vst v63  }
0x150: {  	v3 =	vld [tilespmem:$0xF0];
	_ =	sdelay $0x4  }
0x151: {  	v47 =	vshrl.u32 v3, $0x3  }
0x152: {  	v4 =	vmul.u32 $0x30, v47  }
0x153: {  	v3 =	vand.u32 $0x7, v3  }
0x154: {  	v3 =	vor.u32 v3, v4  }
0x155: {  	v4 =	vperm.xlane v3, v0;
	_ =	sdelay $0x1  }
0x156: {  	v4 =	vadd.s32 v1, v4;
	_ =	sdelay $0x3  }
0x157: {  	s29 =	simm.s32 $0x15200;
	v3 =	vperm.xlane v3, v2  }
0x158: {  	[tilespmem:s29], [sflag:$0x2] =	stream.indirect_vreg.gather [hbm4b:s4+s2], $0x80, v4, vm0, $0xb8;
	[tilespmem:$0x18200] =	vst v63  }
0x159: {  	s26 =	simm.s32 $0x15A00;
	v3 =	vadd.s32 v1, v3  }
0x15a: {  	[tilespmem:s26], [sflag:$0x2] =	stream.indirect_vreg.gather [hbm4b:s13+s2], $0x80, v4, vm0, $0xb8;
	[tilespmem:$0x18200] =	vst v63  }
0x15b: {  	s28 =	simm.s32 $0x16200  }
0x15c: {  	[tilespmem:s28], [sflag:$0x2] =	stream.indirect_vreg.gather [hbm4b:s14+s2], $0x80, v4, vm0, $0xb8;
	[tilespmem:$0x18200] =	vst v63  }
0x15d: {  	s29 =	simm.s32 $0x16A00  }
0x15e: {  	[tilespmem:s29], [sflag:$0x2] =	stream.indirect_vreg.gather [hbm4b:s4+s2], $0x80, v3, vm0, $0xb8;
	[tilespmem:$0x18200] =	vst v63  }
0x15f: {  	s30 =	simm.s32 $0x17200  }
0x160: {  	[tilespmem:s30], [sflag:$0x2] =	stream.indirect_vreg.gather [hbm4b:s13+s2], $0x80, v3, vm0, $0xb8;
	[tilespmem:$0x18200] =	vst v63  }
0x161: {  	s26 =	simm.s32 $0x17A00  }
0x162: {  	[tilespmem:s26], [sflag:$0x2] =	stream.indirect_vreg.gather [hbm4b:s14+s2], $0x80, v3, vm0, $0xb8;
	[tilespmem:$0x18200] =	vst v63  }
0x163: {  	_ =	swait.ge [sflag:s11], $0x18000  }
0x164: {  	[sflag:s11] =	ssyncset.done $0x0  }
0x165: {  	s28 =	rddreg [dreg:$0xf];
	[sflag:s11] =	ssyncadd.s32 $0xFFFE8000  }
0x166: {  	[hbm4b:s28+s2] =	stream.linear.scatter [tilespmem:s16], [sflag:$0x3], $0x18000, $0x38;
	[tilespmem:$0x18200] =	vst v63  }
0x167: {  	_ =	swait.ge [sflag:s7], $0x80  }
0x168: {  	[sflag:s7] =	ssyncset.done $0x0  }
0x169: {  	[sflag:s7] =	ssyncadd.s32 $0xFFFFFF80  }
0x16a: {  	_ =	swait.ge [sflag:s12], $0x18000  }
0x16b: {  	[sflag:s12] =	ssyncset.done $0x0  }
0x16c: {  	[sflag:s12] =	ssyncadd.s32 $0xFFFE8000  }
0x16d: {  	v3 =	vld [tilespmem:$0x100];
	_ =	sdelay $0x4  }
0x16e: {  	v48 =	vshrl.u32 v3, $0x3  }
0x16f: {  	v4 =	vmul.u32 $0x30, v48  }
0x170: {  	v3 =	vand.u32 $0x7, v3  }
0x171: {  	v3 =	vor.u32 v3, v4  }
0x172: {  	v4 =	vperm.xlane v3, v0;
	_ =	sdelay $0x1  }
0x173: {  	v4 =	vadd.s32 v1, v4;
	_ =	sdelay $0x3  }
0x174: {  	v3 =	vperm.xlane v3, v2  }
0x175: {  	[tilespmem:s16], [sflag:$0x2] =	stream.indirect_vreg.gather [hbm4b:s5+s2], $0x80, v4, vm0, $0xb8;
	[tilespmem:$0x18200] =	vst v63  }
0x176: {  	s29 =	simm.s32 $0xA00;
	s13 =	sadd.s32 $0x100, s5;
	v3 =	vadd.s32 v1, v3  }
0x177: {  	[tilespmem:s29], [sflag:$0x2] =	stream.indirect_vreg.gather [hbm4b:s13+s2], $0x80, v4, vm0, $0xb8;
	[tilespmem:$0x18200] =	vst v63  }
0x178: {  	s14 =	sadd.s32 $0x200, s5  }
0x179: {  	[tilespmem:s0], [sflag:$0x2] =	stream.indirect_vreg.gather [hbm4b:s14+s2], $0x80, v4, vm0, $0xb8;
	[tilespmem:$0x18200] =	vst v63  }
0x17a: {  	_ = 	snop  }
0x17b: {  	[tilespmem:s8], [sflag:$0x2] =	stream.indirect_vreg.gather [hbm4b:s5+s2], $0x80, v3, vm0, $0xb8;
	[tilespmem:$0x18200] =	vst v63  }
0x17c: {  	_ = 	snop  }
0x17d: {  	[tilespmem:s10], [sflag:$0x2] =	stream.indirect_vreg.gather [hbm4b:s13+s2], $0x80, v3, vm0, $0xb8;
	[tilespmem:$0x18200] =	vst v63  }
0x17e: {  	s30 =	simm.s32 $0x2A00  }
0x17f: {  	[tilespmem:s30], [sflag:$0x2] =	stream.indirect_vreg.gather [hbm4b:s14+s2], $0x80, v3, vm0, $0xb8;
	[tilespmem:$0x18200] =	vst v63  }
0x180: {  	v3 =	vld [tilespmem:$0x110];
	_ =	sdelay $0x4  }
0x181: {  	v49 =	vshrl.u32 v3, $0x3  }
0x182: {  	v4 =	vmul.u32 $0x30, v49  }
0x183: {  	v3 =	vand.u32 $0x7, v3  }
0x184: {  	v3 =	vor.u32 v3, v4  }
0x185: {  	v4 =	vperm.xlane v3, v0;
	_ =	sdelay $0x1  }
0x186: {  	v4 =	vadd.s32 v1, v4;
	_ =	sdelay $0x3  }
0x187: {  	s26 =	simm.s32 $0x3200;
	v3 =	vperm.xlane v3, v2  }
0x188: {  	[tilespmem:s26], [sflag:$0x2] =	stream.indirect_vreg.gather [hbm4b:s5+s2], $0x80, v4, vm0, $0xb8;
	[tilespmem:$0x18200] =	vst v63  }
0x189: {  	v3 =	vadd.s32 v1, v3  }
0x18a: {  	[tilespmem:s17], [sflag:$0x2] =	stream.indirect_vreg.gather [hbm4b:s13+s2], $0x80, v4, vm0, $0xb8;
	[tilespmem:$0x18200] =	vst v63  }
0x18b: {  	_ = 	snop  }
0x18c: {  	[tilespmem:s18], [sflag:$0x2] =	stream.indirect_vreg.gather [hbm4b:s14+s2], $0x80, v4, vm0, $0xb8;
	[tilespmem:$0x18200] =	vst v63  }
0x18d: {  	_ = 	snop  }
0x18e: {  	[tilespmem:s19], [sflag:$0x2] =	stream.indirect_vreg.gather [hbm4b:s5+s2], $0x80, v3, vm0, $0xb8;
	[tilespmem:$0x18200] =	vst v63  }
0x18f: {  	_ = 	snop  }
0x190: {  	[tilespmem:s20], [sflag:$0x2] =	stream.indirect_vreg.gather [hbm4b:s13+s2], $0x80, v3, vm0, $0xb8;
	[tilespmem:$0x18200] =	vst v63  }
0x191: {  	s28 =	simm.s32 $0x5A00  }
0x192: {  	[tilespmem:s28], [sflag:$0x2] =	stream.indirect_vreg.gather [hbm4b:s14+s2], $0x80, v3, vm0, $0xb8;
	[tilespmem:$0x18200] =	vst v63  }
0x193: {  	v3 =	vld [tilespmem:$0x120];
	_ =	sdelay $0x4  }
0x194: {  	v50 =	vshrl.u32 v3, $0x3  }
0x195: {  	v4 =	vmul.u32 $0x30, v50  }
0x196: {  	v3 =	vand.u32 $0x7, v3  }
0x197: {  	v3 =	vor.u32 v3, v4  }
0x198: {  	v4 =	vperm.xlane v3, v0;
	_ =	sdelay $0x1  }
0x199: {  	v4 =	vadd.s32 v1, v4;
	_ =	sdelay $0x3  }
0x19a: {  	s29 =	simm.s32 $0x6200;
	v3 =	vperm.xlane v3, v2  }
0x19b: {  	[tilespmem:s29], [sflag:$0x2] =	stream.indirect_vreg.gather [hbm4b:s5+s2], $0x80, v4, vm0, $0xb8;
	[tilespmem:$0x18200] =	vst v63  }
0x19c: {  	v3 =	vadd.s32 v1, v3  }
0x19d: {  	[tilespmem:s21], [sflag:$0x2] =	stream.indirect_vreg.gather [hbm4b:s13+s2], $0x80, v4, vm0, $0xb8;
	[tilespmem:$0x18200] =	vst v63  }
0x19e: {  	_ = 	snop  }
0x19f: {  	[tilespmem:s22], [sflag:$0x2] =	stream.indirect_vreg.gather [hbm4b:s14+s2], $0x80, v4, vm0, $0xb8;
	[tilespmem:$0x18200] =	vst v63  }
0x1a0: {  	_ = 	snop  }
0x1a1: {  	[tilespmem:s23], [sflag:$0x2] =	stream.indirect_vreg.gather [hbm4b:s5+s2], $0x80, v3, vm0, $0xb8;
	[tilespmem:$0x18200] =	vst v63  }
0x1a2: {  	_ = 	snop  }
0x1a3: {  	[tilespmem:s15], [sflag:$0x2] =	stream.indirect_vreg.gather [hbm4b:s13+s2], $0x80, v3, vm0, $0xb8;
	[tilespmem:$0x18200] =	vst v63  }
0x1a4: {  	_ = 	snop  }
0x1a5: {  	[tilespmem:s24], [sflag:$0x2] =	stream.indirect_vreg.gather [hbm4b:s14+s2], $0x80, v3, vm0, $0xb8;
	[tilespmem:$0x18200] =	vst v63  }
0x1a6: {  	v3 =	vld [tilespmem:$0x130];
	_ =	sdelay $0x4  }
0x1a7: {  	v51 =	vshrl.u32 v3, $0x3  }
0x1a8: {  	v4 =	vmul.u32 $0x30, v51  }
0x1a9: {  	v3 =	vand.u32 $0x7, v3  }
0x1aa: {  	v3 =	vor.u32 v3, v4  }
0x1ab: {  	v4 =	vperm.xlane v3, v0;
	_ =	sdelay $0x1  }
0x1ac: {  	v4 =	vadd.s32 v1, v4;
	_ =	sdelay $0x3  }
0x1ad: {  	v3 =	vperm.xlane v3, v2  }
0x1ae: {  	[tilespmem:s25], [sflag:$0x2] =	stream.indirect_vreg.gather [hbm4b:s5+s2], $0x80, v4, vm0, $0xb8;
	[tilespmem:$0x18200] =	vst v63  }
0x1af: {  	s30 =	simm.s32 $0x9A00;
	v3 =	vadd.s32 v1, v3  }
0x1b0: {  	[tilespmem:s30], [sflag:$0x2] =	stream.indirect_vreg.gather [hbm4b:s13+s2], $0x80, v4, vm0, $0xb8;
	[tilespmem:$0x18200] =	vst v63  }
0x1b1: {  	s26 =	simm.s32 $0xA200  }
0x1b2: {  	[tilespmem:s26], [sflag:$0x2] =	stream.indirect_vreg.gather [hbm4b:s14+s2], $0x80, v4, vm0, $0xb8;
	[tilespmem:$0x18200] =	vst v63  }
0x1b3: {  	s28 =	simm.s32 $0xAA00  }
0x1b4: {  	[tilespmem:s28], [sflag:$0x2] =	stream.indirect_vreg.gather [hbm4b:s5+s2], $0x80, v3, vm0, $0xb8;
	[tilespmem:$0x18200] =	vst v63  }
0x1b5: {  	s29 =	simm.s32 $0xB200  }
0x1b6: {  	[tilespmem:s29], [sflag:$0x2] =	stream.indirect_vreg.gather [hbm4b:s13+s2], $0x80, v3, vm0, $0xb8;
	[tilespmem:$0x18200] =	vst v63  }
0x1b7: {  	s30 =	simm.s32 $0xBA00  }
0x1b8: {  	[tilespmem:s30], [sflag:$0x2] =	stream.indirect_vreg.gather [hbm4b:s14+s2], $0x80, v3, vm0, $0xb8;
	[tilespmem:$0x18200] =	vst v63  }
0x1b9: {  	v3 =	vld [tilespmem:$0x140];
	_ =	sdelay $0x4  }
0x1ba: {  	v52 =	vshrl.u32 v3, $0x3  }
0x1bb: {  	v4 =	vmul.u32 $0x30, v52  }
0x1bc: {  	v3 =	vand.u32 $0x7, v3  }
0x1bd: {  	v3 =	vor.u32 v3, v4  }
0x1be: {  	v4 =	vperm.xlane v3, v0;
	_ =	sdelay $0x1  }
0x1bf: {  	v4 =	vadd.s32 v1, v4;
	_ =	sdelay $0x3  }
0x1c0: {  	s31 =	simm.s32 $0xC200;
	v3 =	vperm.xlane v3, v2  }
0x1c1: {  	[tilespmem:s31], [sflag:$0x2] =	stream.indirect_vreg.gather [hbm4b:s5+s2], $0x80, v4, vm0, $0xb8;
	[tilespmem:$0x18200] =	vst v63  }
0x1c2: {  	s29 =	simm.s32 $0xCA00;
	v3 =	vadd.s32 v1, v3  }
0x1c3: {  	[tilespmem:s29], [sflag:$0x2] =	stream.indirect_vreg.gather [hbm4b:s13+s2], $0x80, v4, vm0, $0xb8;
	[tilespmem:$0x18200] =	vst v63  }
0x1c4: {  	s30 =	simm.s32 $0xD200  }
0x1c5: {  	[tilespmem:s30], [sflag:$0x2] =	stream.indirect_vreg.gather [hbm4b:s14+s2], $0x80, v4, vm0, $0xb8;
	[tilespmem:$0x18200] =	vst v63  }
0x1c6: {  	s31 =	simm.s32 $0xDA00  }
0x1c7: {  	[tilespmem:s31], [sflag:$0x2] =	stream.indirect_vreg.gather [hbm4b:s5+s2], $0x80, v3, vm0, $0xb8;
	[tilespmem:$0x18200] =	vst v63  }
0x1c8: {  	s15 =	simm.s32 $0xE200  }
0x1c9: {  	[tilespmem:s15], [sflag:$0x2] =	stream.indirect_vreg.gather [hbm4b:s13+s2], $0x80, v3, vm0, $0xb8;
	[tilespmem:$0x18200] =	vst v63  }
0x1ca: {  	s15 =	simm.s32 $0xEA00  }
0x1cb: {  	[tilespmem:s15], [sflag:$0x2] =	stream.indirect_vreg.gather [hbm4b:s14+s2], $0x80, v3, vm0, $0xb8;
	[tilespmem:$0x18200] =	vst v63  }
0x1cc: {  	v3 =	vld [tilespmem:$0x150];
	_ =	sdelay $0x4  }
0x1cd: {  	v53 =	vshrl.u32 v3, $0x3  }
0x1ce: {  	v4 =	vmul.u32 $0x30, v53  }
0x1cf: {  	v3 =	vand.u32 $0x7, v3  }
0x1d0: {  	v3 =	vor.u32 v3, v4  }
0x1d1: {  	v4 =	vperm.xlane v3, v0;
	_ =	sdelay $0x1  }
0x1d2: {  	v4 =	vadd.s32 v1, v4;
	_ =	sdelay $0x3  }
0x1d3: {  	s15 =	simm.s32 $0xF200;
	v3 =	vperm.xlane v3, v2  }
0x1d4: {  	[tilespmem:s15], [sflag:$0x2] =	stream.indirect_vreg.gather [hbm4b:s5+s2], $0x80, v4, vm0, $0xb8;
	[tilespmem:$0x18200] =	vst v63  }
0x1d5: {  	v3 =	vadd.s32 v1, v3;
	s15 =	simm.s32 $0xFA00  }
0x1d6: {  	[tilespmem:s15], [sflag:$0x2] =	stream.indirect_vreg.gather [hbm4b:s13+s2], $0x80, v4, vm0, $0xb8;
	[tilespmem:$0x18200] =	vst v63  }
0x1d7: {  	s15 =	simm.s32 $0x10200  }
0x1d8: {  	[tilespmem:s15], [sflag:$0x2] =	stream.indirect_vreg.gather [hbm4b:s14+s2], $0x80, v4, vm0, $0xb8;
	[tilespmem:$0x18200] =	vst v63  }
0x1d9: {  	s15 =	simm.s32 $0x10A00  }
0x1da: {  	[tilespmem:s15], [sflag:$0x2] =	stream.indirect_vreg.gather [hbm4b:s5+s2], $0x80, v3, vm0, $0xb8;
	[tilespmem:$0x18200] =	vst v63  }
0x1db: {  	s15 =	simm.s32 $0x11200  }
0x1dc: {  	[tilespmem:s15], [sflag:$0x2] =	stream.indirect_vreg.gather [hbm4b:s13+s2], $0x80, v3, vm0, $0xb8;
	[tilespmem:$0x18200] =	vst v63  }
0x1dd: {  	s15 =	simm.s32 $0x11A00  }
0x1de: {  	[tilespmem:s15], [sflag:$0x2] =	stream.indirect_vreg.gather [hbm4b:s14+s2], $0x80, v3, vm0, $0xb8;
	[tilespmem:$0x18200] =	vst v63  }
0x1df: {  	v3 =	vld [tilespmem:$0x160];
	_ =	sdelay $0x4  }
0x1e0: {  	v54 =	vshrl.u32 v3, $0x3  }
0x1e1: {  	v4 =	vmul.u32 $0x30, v54  }
0x1e2: {  	v3 =	vand.u32 $0x7, v3  }
0x1e3: {  	v3 =	vor.u32 v3, v4  }
0x1e4: {  	v4 =	vperm.xlane v3, v0;
	_ =	sdelay $0x1  }
0x1e5: {  	v4 =	vadd.s32 v1, v4;
	_ =	sdelay $0x3  }
0x1e6: {  	s15 =	simm.s32 $0x12200;
	v3 =	vperm.xlane v3, v2  }
0x1e7: {  	[tilespmem:s15], [sflag:$0x2] =	stream.indirect_vreg.gather [hbm4b:s5+s2], $0x80, v4, vm0, $0xb8;
	[tilespmem:$0x18200] =	vst v63  }
0x1e8: {  	v3 =	vadd.s32 v1, v3;
	s15 =	simm.s32 $0x12A00  }
0x1e9: {  	[tilespmem:s15], [sflag:$0x2] =	stream.indirect_vreg.gather [hbm4b:s13+s2], $0x80, v4, vm0, $0xb8;
	[tilespmem:$0x18200] =	vst v63  }
0x1ea: {  	s15 =	simm.s32 $0x13200  }
0x1eb: {  	[tilespmem:s15], [sflag:$0x2] =	stream.indirect_vreg.gather [hbm4b:s14+s2], $0x80, v4, vm0, $0xb8;
	[tilespmem:$0x18200] =	vst v63  }
0x1ec: {  	s15 =	simm.s32 $0x13A00  }
0x1ed: {  	[tilespmem:s15], [sflag:$0x2] =	stream.indirect_vreg.gather [hbm4b:s5+s2], $0x80, v3, vm0, $0xb8;
	[tilespmem:$0x18200] =	vst v63  }
0x1ee: {  	s15 =	simm.s32 $0x14200  }
0x1ef: {  	[tilespmem:s15], [sflag:$0x2] =	stream.indirect_vreg.gather [hbm4b:s13+s2], $0x80, v3, vm0, $0xb8;
	[tilespmem:$0x18200] =	vst v63  }
0x1f0: {  	s15 =	simm.s32 $0x14A00  }
0x1f1: {  	[tilespmem:s15], [sflag:$0x2] =	stream.indirect_vreg.gather [hbm4b:s14+s2], $0x80, v3, vm0, $0xb8;
	[tilespmem:$0x18200] =	vst v63  }
0x1f2: {  	v3 =	vld [tilespmem:$0x170];
	_ =	sdelay $0x4  }
0x1f3: {  	v55 =	vshrl.u32 v3, $0x3  }
0x1f4: {  	v4 =	vmul.u32 $0x30, v55  }
0x1f5: {  	v3 =	vand.u32 $0x7, v3  }
0x1f6: {  	v3 =	vor.u32 v3, v4  }
0x1f7: {  	v4 =	vperm.xlane v3, v0;
	_ =	sdelay $0x1  }
0x1f8: {  	v4 =	vadd.s32 v1, v4;
	_ =	sdelay $0x3  }
0x1f9: {  	s15 =	simm.s32 $0x15200;
	v3 =	vperm.xlane v3, v2  }
0x1fa: {  	[tilespmem:s15], [sflag:$0x2] =	stream.indirect_vreg.gather [hbm4b:s5+s2], $0x80, v4, vm0, $0xb8;
	[tilespmem:$0x18200] =	vst v63  }
0x1fb: {  	v3 =	vadd.s32 v1, v3;
	s15 =	simm.s32 $0x15A00  }
0x1fc: {  	[tilespmem:s15], [sflag:$0x2] =	stream.indirect_vreg.gather [hbm4b:s13+s2], $0x80, v4, vm0, $0xb8;
	[tilespmem:$0x18200] =	vst v63  }
0x1fd: {  	s15 =	simm.s32 $0x16200  }
0x1fe: {  	[tilespmem:s15], [sflag:$0x2] =	stream.indirect_vreg.gather [hbm4b:s14+s2], $0x80, v4, vm0, $0xb8;
	[tilespmem:$0x18200] =	vst v63  }
0x1ff: {  	s15 =	simm.s32 $0x16A00  }
0x200: {  	[tilespmem:s15], [sflag:$0x2] =	stream.indirect_vreg.gather [hbm4b:s5+s2], $0x80, v3, vm0, $0xb8;
	[tilespmem:$0x18200] =	vst v63  }
0x201: {  	s15 =	simm.s32 $0x17200  }
0x202: {  	[tilespmem:s15], [sflag:$0x2] =	stream.indirect_vreg.gather [hbm4b:s13+s2], $0x80, v3, vm0, $0xb8;
	[tilespmem:$0x18200] =	vst v63  }
0x203: {  	s15 =	simm.s32 $0x17A00  }
0x204: {  	[tilespmem:s15], [sflag:$0x2] =	stream.indirect_vreg.gather [hbm4b:s14+s2], $0x80, v3, vm0, $0xb8;
	[tilespmem:$0x18200] =	vst v63  }
0x205: {  	_ =	swait.ge [sflag:s11], $0x18000  }
0x206: {  	[sflag:s11] =	ssyncset.done $0x0  }
0x207: {  	s15 =	rddreg [dreg:$0x10];
	[sflag:s11] =	ssyncadd.s32 $0xFFFE8000  }
0x208: {  	[hbm4b:s15+s2] =	stream.linear.scatter [tilespmem:s16], [sflag:$0x3], $0x18000, $0x38;
	[tilespmem:$0x18200] =	vst v63  }
0x209: {  	_ =	swait.ge [sflag:s7], $0x80  }
0x20a: {  	[sflag:s7] =	ssyncset.done $0x0  }
0x20b: {  	[sflag:s7] =	ssyncadd.s32 $0xFFFFFF80  }
0x20c: {  	_ =	swait.ge [sflag:s12], $0x18000  }
0x20d: {  	[sflag:s12] =	ssyncset.done $0x0  }
0x20e: {  	[sflag:s12] =	ssyncadd.s32 $0xFFFE8000  }
0x20f: {  	v3 =	vld [tilespmem:$0x180];
	_ =	sdelay $0x4  }
0x210: {  	v56 =	vshrl.u32 v3, $0x3  }
0x211: {  	v4 =	vmul.u32 $0x30, v56  }
0x212: {  	v3 =	vand.u32 $0x7, v3  }
0x213: {  	v3 =	vor.u32 v3, v4  }
0x214: {  	v4 =	vperm.xlane v3, v0;
	_ =	sdelay $0x1  }
0x215: {  	v4 =	vadd.s32 v1, v4;
	_ =	sdelay $0x3  }
0x216: {  	v3 =	vperm.xlane v3, v2  }
0x217: {  	[tilespmem:s16], [sflag:$0x2] =	stream.indirect_vreg.gather [hbm4b:s5+s2], $0x80, v4, vm0, $0xb8;
	[tilespmem:$0x18200] =	vst v63  }
0x218: {  	s15 =	simm.s32 $0xA00;
	v3 =	vadd.s32 v1, v3  }
0x219: {  	[tilespmem:s15], [sflag:$0x2] =	stream.indirect_vreg.gather [hbm4b:s13+s2], $0x80, v4, vm0, $0xb8;
	[tilespmem:$0x18200] =	vst v63  }
0x21a: {  	s1 =	simm.s32 $0x1200  }
0x21b: {  	[tilespmem:s1], [sflag:$0x2] =	stream.indirect_vreg.gather [hbm4b:s14+s2], $0x80, v4, vm0, $0xb8;
	[tilespmem:$0x18200] =	vst v63  }
0x21c: {  	s8 =	simm.s32 $0x1A00  }
0x21d: {  	[tilespmem:s8], [sflag:$0x2] =	stream.indirect_vreg.gather [hbm4b:s5+s2], $0x80, v3, vm0, $0xb8;
	[tilespmem:$0x18200] =	vst v63  }
0x21e: {  	s10 =	simm.s32 $0x2200  }
0x21f: {  	[tilespmem:s10], [sflag:$0x2] =	stream.indirect_vreg.gather [hbm4b:s13+s2], $0x80, v3, vm0, $0xb8;
	[tilespmem:$0x18200] =	vst v63  }
0x220: {  	s10 =	simm.s32 $0x2A00  }
0x221: {  	[tilespmem:s10], [sflag:$0x2] =	stream.indirect_vreg.gather [hbm4b:s14+s2], $0x80, v3, vm0, $0xb8;
	[tilespmem:$0x18200] =	vst v63  }
0x222: {  	v3 =	vld [tilespmem:$0x190];
	_ =	sdelay $0x4  }
0x223: {  	v57 =	vshrl.u32 v3, $0x3  }
0x224: {  	v4 =	vmul.u32 $0x30, v57  }
0x225: {  	v3 =	vand.u32 $0x7, v3  }
0x226: {  	v3 =	vor.u32 v3, v4  }
0x227: {  	v4 =	vperm.xlane v3, v0;
	_ =	sdelay $0x1  }
0x228: {  	v4 =	vadd.s32 v1, v4;
	_ =	sdelay $0x3  }
0x229: {  	s15 =	simm.s32 $0x3200;
	v3 =	vperm.xlane v3, v2  }
0x22a: {  	[tilespmem:s15], [sflag:$0x2] =	stream.indirect_vreg.gather [hbm4b:s5+s2], $0x80, v4, vm0, $0xb8;
	[tilespmem:$0x18200] =	vst v63  }
0x22b: {  	s17 =	simm.s32 $0x3A00;
	v3 =	vadd.s32 v1, v3  }
0x22c: {  	[tilespmem:s17], [sflag:$0x2] =	stream.indirect_vreg.gather [hbm4b:s13+s2], $0x80, v4, vm0, $0xb8;
	[tilespmem:$0x18200] =	vst v63  }
0x22d: {  	s18 =	simm.s32 $0x4200  }
0x22e: {  	[tilespmem:s18], [sflag:$0x2] =	stream.indirect_vreg.gather [hbm4b:s14+s2], $0x80, v4, vm0, $0xb8;
	[tilespmem:$0x18200] =	vst v63  }
0x22f: {  	s19 =	simm.s32 $0x4A00  }
0x230: {  	[tilespmem:s19], [sflag:$0x2] =	stream.indirect_vreg.gather [hbm4b:s5+s2], $0x80, v3, vm0, $0xb8;
	[tilespmem:$0x18200] =	vst v63  }
0x231: {  	s20 =	simm.s32 $0x5200  }
0x232: {  	[tilespmem:s20], [sflag:$0x2] =	stream.indirect_vreg.gather [hbm4b:s13+s2], $0x80, v3, vm0, $0xb8;
	[tilespmem:$0x18200] =	vst v63  }
0x233: {  	s19 =	simm.s32 $0x5A00  }
0x234: {  	[tilespmem:s19], [sflag:$0x2] =	stream.indirect_vreg.gather [hbm4b:s14+s2], $0x80, v3, vm0, $0xb8;
	[tilespmem:$0x18200] =	vst v63  }
0x235: {  	v3 =	vld [tilespmem:$0x1A0];
	_ =	sdelay $0x4  }
0x236: {  	v58 =	vshrl.u32 v3, $0x3  }
0x237: {  	v4 =	vmul.u32 $0x30, v58  }
0x238: {  	v3 =	vand.u32 $0x7, v3  }
0x239: {  	v3 =	vor.u32 v3, v4  }
0x23a: {  	v4 =	vperm.xlane v3, v0;
	_ =	sdelay $0x1  }
0x23b: {  	v4 =	vadd.s32 v1, v4;
	_ =	sdelay $0x3  }
0x23c: {  	s20 =	simm.s32 $0x6200;
	v3 =	vperm.xlane v3, v2  }
0x23d: {  	[tilespmem:s20], [sflag:$0x2] =	stream.indirect_vreg.gather [hbm4b:s5+s2], $0x80, v4, vm0, $0xb8;
	[tilespmem:$0x18200] =	vst v63  }
0x23e: {  	s21 =	simm.s32 $0x6A00;
	v3 =	vadd.s32 v1, v3  }
0x23f: {  	[tilespmem:s21], [sflag:$0x2] =	stream.indirect_vreg.gather [hbm4b:s13+s2], $0x80, v4, vm0, $0xb8;
	[tilespmem:$0x18200] =	vst v63  }
0x240: {  	s22 =	simm.s32 $0x7200  }
0x241: {  	[tilespmem:s22], [sflag:$0x2] =	stream.indirect_vreg.gather [hbm4b:s14+s2], $0x80, v4, vm0, $0xb8;
	[tilespmem:$0x18200] =	vst v63  }
0x242: {  	s23 =	simm.s32 $0x7A00  }
0x243: {  	[tilespmem:s23], [sflag:$0x2] =	stream.indirect_vreg.gather [hbm4b:s5+s2], $0x80, v3, vm0, $0xb8;
	[tilespmem:$0x18200] =	vst v63  }
0x244: {  	s0 =	simm.s32 $0x8200  }
0x245: {  	[tilespmem:s0], [sflag:$0x2] =	stream.indirect_vreg.gather [hbm4b:s13+s2], $0x80, v3, vm0, $0xb8;
	[tilespmem:$0x18200] =	vst v63  }
0x246: {  	s24 =	simm.s32 $0x8A00  }
0x247: {  	[tilespmem:s24], [sflag:$0x2] =	stream.indirect_vreg.gather [hbm4b:s14+s2], $0x80, v3, vm0, $0xb8;
	[tilespmem:$0x18200] =	vst v63  }
0x248: {  	v3 =	vld [tilespmem:$0x1B0];
	_ =	sdelay $0x4  }
0x249: {  	v59 =	vshrl.u32 v3, $0x3  }
0x24a: {  	v4 =	vmul.u32 $0x30, v59  }
0x24b: {  	v3 =	vand.u32 $0x7, v3  }
0x24c: {  	v3 =	vor.u32 v3, v4  }
0x24d: {  	v4 =	vperm.xlane v3, v0;
	_ =	sdelay $0x1  }
0x24e: {  	v4 =	vadd.s32 v1, v4;
	_ =	sdelay $0x3  }
0x24f: {  	s25 =	simm.s32 $0x9200;
	v3 =	vperm.xlane v3, v2  }
0x250: {  	[tilespmem:s25], [sflag:$0x2] =	stream.indirect_vreg.gather [hbm4b:s5+s2], $0x80, v4, vm0, $0xb8;
	[tilespmem:$0x18200] =	vst v63  }
0x251: {  	s24 =	simm.s32 $0x9A00;
	v3 =	vadd.s32 v1, v3  }
0x252: {  	[tilespmem:s24], [sflag:$0x2] =	stream.indirect_vreg.gather [hbm4b:s13+s2], $0x80, v4, vm0, $0xb8;
	[tilespmem:$0x18200] =	vst v63  }
0x253: {  	s25 =	simm.s32 $0xA200  }
0x254: {  	[tilespmem:s25], [sflag:$0x2] =	stream.indirect_vreg.gather [hbm4b:s14+s2], $0x80, v4, vm0, $0xb8;
	[tilespmem:$0x18200] =	vst v63  }
0x255: {  	s26 =	simm.s32 $0xAA00  }
0x256: {  	[tilespmem:s26], [sflag:$0x2] =	stream.indirect_vreg.gather [hbm4b:s5+s2], $0x80, v3, vm0, $0xb8;
	[tilespmem:$0x18200] =	vst v63  }
0x257: {  	s28 =	simm.s32 $0xB200  }
0x258: {  	[tilespmem:s28], [sflag:$0x2] =	stream.indirect_vreg.gather [hbm4b:s13+s2], $0x80, v3, vm0, $0xb8;
	[tilespmem:$0x18200] =	vst v63  }
0x259: {  	s26 =	simm.s32 $0xBA00  }
0x25a: {  	[tilespmem:s26], [sflag:$0x2] =	stream.indirect_vreg.gather [hbm4b:s14+s2], $0x80, v3, vm0, $0xb8;
	[tilespmem:$0x18200] =	vst v63  }
0x25b: {  	v3 =	vld [tilespmem:$0x1C0];
	_ =	sdelay $0x4  }
0x25c: {  	v60 =	vshrl.u32 v3, $0x3  }
0x25d: {  	v4 =	vmul.u32 $0x30, v60  }
0x25e: {  	v3 =	vand.u32 $0x7, v3  }
0x25f: {  	v3 =	vor.u32 v3, v4  }
0x260: {  	v4 =	vperm.xlane v3, v0;
	_ =	sdelay $0x1  }
0x261: {  	v4 =	vadd.s32 v1, v4;
	_ =	sdelay $0x3  }
0x262: {  	s28 =	simm.s32 $0xC200;
	v3 =	vperm.xlane v3, v2  }
0x263: {  	[tilespmem:s28], [sflag:$0x2] =	stream.indirect_vreg.gather [hbm4b:s5+s2], $0x80, v4, vm0, $0xb8;
	[tilespmem:$0x18200] =	vst v63  }
0x264: {  	s29 =	simm.s32 $0xCA00;
	v3 =	vadd.s32 v1, v3  }
0x265: {  	[tilespmem:s29], [sflag:$0x2] =	stream.indirect_vreg.gather [hbm4b:s13+s2], $0x80, v4, vm0, $0xb8;
	[tilespmem:$0x18200] =	vst v63  }
0x266: {  	s30 =	simm.s32 $0xD200  }
0x267: {  	[tilespmem:s30], [sflag:$0x2] =	stream.indirect_vreg.gather [hbm4b:s14+s2], $0x80, v4, vm0, $0xb8;
	[tilespmem:$0x18200] =	vst v63  }
0x268: {  	s31 =	simm.s32 $0xDA00  }
0x269: {  	[tilespmem:s31], [sflag:$0x2] =	stream.indirect_vreg.gather [hbm4b:s5+s2], $0x80, v3, vm0, $0xb8;
	[tilespmem:$0x18200] =	vst v63  }
0x26a: {  	s29 =	simm.s32 $0xE200  }
0x26b: {  	[tilespmem:s29], [sflag:$0x2] =	stream.indirect_vreg.gather [hbm4b:s13+s2], $0x80, v3, vm0, $0xb8;
	[tilespmem:$0x18200] =	vst v63  }
0x26c: {  	s30 =	simm.s32 $0xEA00  }
0x26d: {  	[tilespmem:s30], [sflag:$0x2] =	stream.indirect_vreg.gather [hbm4b:s14+s2], $0x80, v3, vm0, $0xb8;
	[tilespmem:$0x18200] =	vst v63  }
0x26e: {  	v3 =	vld [tilespmem:$0x1D0];
	_ =	sdelay $0x4  }
0x26f: {  	v61 =	vshrl.u32 v3, $0x3  }
0x270: {  	v4 =	vmul.u32 $0x30, v61  }
0x271: {  	v3 =	vand.u32 $0x7, v3  }
0x272: {  	v3 =	vor.u32 v3, v4  }
0x273: {  	v4 =	vperm.xlane v3, v0;
	_ =	sdelay $0x1  }
0x274: {  	v4 =	vadd.s32 v1, v4;
	_ =	sdelay $0x3  }
0x275: {  	s31 =	simm.s32 $0xF200;
	v3 =	vperm.xlane v3, v2  }
0x276: {  	[tilespmem:s31], [sflag:$0x2] =	stream.indirect_vreg.gather [hbm4b:s5+s2], $0x80, v4, vm0, $0xb8;
	[tilespmem:$0x18200] =	vst v63  }
0x277: {  	s1 =	simm.s32 $0xFA00;
	v3 =	vadd.s32 v1, v3  }
0x278: {  	[tilespmem:s1], [sflag:$0x2] =	stream.indirect_vreg.gather [hbm4b:s13+s2], $0x80, v4, vm0, $0xb8;
	[tilespmem:$0x18200] =	vst v63  }
0x279: {  	s8 =	simm.s32 $0x10200  }
0x27a: {  	[tilespmem:s8], [sflag:$0x2] =	stream.indirect_vreg.gather [hbm4b:s14+s2], $0x80, v4, vm0, $0xb8;
	[tilespmem:$0x18200] =	vst v63  }
0x27b: {  	s10 =	simm.s32 $0x10A00  }
0x27c: {  	[tilespmem:s10], [sflag:$0x2] =	stream.indirect_vreg.gather [hbm4b:s5+s2], $0x80, v3, vm0, $0xb8;
	[tilespmem:$0x18200] =	vst v63  }
0x27d: {  	s15 =	simm.s32 $0x11200  }
0x27e: {  	[tilespmem:s15], [sflag:$0x2] =	stream.indirect_vreg.gather [hbm4b:s13+s2], $0x80, v3, vm0, $0xb8;
	[tilespmem:$0x18200] =	vst v63  }
0x27f: {  	s17 =	simm.s32 $0x11A00  }
0x280: {  	[tilespmem:s17], [sflag:$0x2] =	stream.indirect_vreg.gather [hbm4b:s14+s2], $0x80, v3, vm0, $0xb8;
	[tilespmem:$0x18200] =	vst v63  }
0x281: {  	v3 =	vld [tilespmem:$0x1E0];
	_ =	sdelay $0x4  }
0x282: {  	v62 =	vshrl.u32 v3, $0x3  }
0x283: {  	v4 =	vmul.u32 $0x30, v62  }
0x284: {  	v3 =	vand.u32 $0x7, v3  }
0x285: {  	v3 =	vor.u32 v3, v4  }
0x286: {  	v4 =	vperm.xlane v3, v0;
	_ =	sdelay $0x1  }
0x287: {  	v4 =	vadd.s32 v1, v4;
	_ =	sdelay $0x3  }
0x288: {  	s18 =	simm.s32 $0x12200;
	v3 =	vperm.xlane v3, v2  }
0x289: {  	[tilespmem:s18], [sflag:$0x2] =	stream.indirect_vreg.gather [hbm4b:s5+s2], $0x80, v4, vm0, $0xb8;
	[tilespmem:$0x18200] =	vst v63  }
0x28a: {  	s19 =	simm.s32 $0x12A00;
	v3 =	vadd.s32 v1, v3  }
0x28b: {  	[tilespmem:s19], [sflag:$0x2] =	stream.indirect_vreg.gather [hbm4b:s13+s2], $0x80, v4, vm0, $0xb8;
	[tilespmem:$0x18200] =	vst v63  }
0x28c: {  	s20 =	simm.s32 $0x13200  }
0x28d: {  	[tilespmem:s20], [sflag:$0x2] =	stream.indirect_vreg.gather [hbm4b:s14+s2], $0x80, v4, vm0, $0xb8;
	[tilespmem:$0x18200] =	vst v63  }
0x28e: {  	s21 =	simm.s32 $0x13A00  }
0x28f: {  	[tilespmem:s21], [sflag:$0x2] =	stream.indirect_vreg.gather [hbm4b:s5+s2], $0x80, v3, vm0, $0xb8;
	[tilespmem:$0x18200] =	vst v63  }
0x290: {  	s22 =	simm.s32 $0x14200  }
0x291: {  	[tilespmem:s22], [sflag:$0x2] =	stream.indirect_vreg.gather [hbm4b:s13+s2], $0x80, v3, vm0, $0xb8;
	[tilespmem:$0x18200] =	vst v63  }
0x292: {  	s23 =	simm.s32 $0x14A00  }
0x293: {  	[tilespmem:s23], [sflag:$0x2] =	stream.indirect_vreg.gather [hbm4b:s14+s2], $0x80, v3, vm0, $0xb8;
	[tilespmem:$0x18200] =	vst v63  }
0x294: {  	v3 =	vld [tilespmem:$0x1F0];
	_ =	sdelay $0x4  }
0x295: {  	v63 =	vshrl.u32 v3, $0x3  }
0x296: {  	v4 =	vmul.u32 $0x30, v63  }
0x297: {  	v3 =	vand.u32 $0x7, v3  }
0x298: {  	v3 =	vor.u32 v3, v4  }
0x299: {  	v4 =	vperm.xlane v3, v0;
	_ =	sdelay $0x1  }
0x29a: {  	v4 =	vadd.s32 v1, v4;
	_ =	sdelay $0x3  }
0x29b: {  	s24 =	simm.s32 $0x15200;
	v3 =	vperm.xlane v3, v2  }
0x29c: {  	[tilespmem:s24], [sflag:$0x2] =	stream.indirect_vreg.gather [hbm4b:s5+s2], $0x80, v4, vm0, $0xb8;
	[tilespmem:$0x18200] =	vst v63  }
0x29d: {  	s25 =	simm.s32 $0x15A00;
	v3 =	vadd.s32 v1, v3  }
0x29e: {  	[tilespmem:s25], [sflag:$0x2] =	stream.indirect_vreg.gather [hbm4b:s13+s2], $0x80, v4, vm0, $0xb8;
	[tilespmem:$0x18200] =	vst v63  }
0x29f: {  	s26 =	simm.s32 $0x16200  }
0x2a0: {  	[tilespmem:s26], [sflag:$0x2] =	stream.indirect_vreg.gather [hbm4b:s14+s2], $0x80, v4, vm0, $0xb8;
	[tilespmem:$0x18200] =	vst v63  }
0x2a1: {  	s28 =	simm.s32 $0x16A00  }
0x2a2: {  	[tilespmem:s28], [sflag:$0x2] =	stream.indirect_vreg.gather [hbm4b:s5+s2], $0x80, v3, vm0, $0xb8;
	[tilespmem:$0x18200] =	vst v63  }
0x2a3: {  	s29 =	simm.s32 $0x17200  }
0x2a4: {  	[tilespmem:s29], [sflag:$0x2] =	stream.indirect_vreg.gather [hbm4b:s13+s2], $0x80, v3, vm0, $0xb8;
	[tilespmem:$0x18200] =	vst v63  }
0x2a5: {  	s30 =	simm.s32 $0x17A00  }
0x2a6: {  	[tilespmem:s30], [sflag:$0x2] =	stream.indirect_vreg.gather [hbm4b:s14+s2], $0x80, v3, vm0, $0xb8;
	[tilespmem:$0x18200] =	vst v63  }
0x2a7: {  	_ =	swait.ge [sflag:s11], $0x18000  }
0x2a8: {  	p0 =	sne.s32 s6, $0x1;
	[sflag:s11] =	ssyncset.done $0x0  }
.Ltmp0:
0x2a9: {  	s31 =	rddreg [dreg:$0x11];
	[sflag:s11] =	ssyncadd.s32 $0xFFFE8000;
	(pc) =	sbr.rel @p0 .LBB2_1-.Ltmp0, $4  }
0x2aa: {  	[hbm4b:s31+s2] =	stream.linear.scatter [tilespmem:s16], [sflag:$0x3], $0x18000, $0x38;
	[tilespmem:$0x18200] =	vst v63  }
0x2ab: {  	_ =	swait.ge [sflag:s12], $0x18000  }
0x2ac: {  	[sflag:s12] =	ssyncset.done $0x0  }
0x2ad: {  	s6 =	sadd.s32 $0xFFFFFFFF, s6;
	[sflag:s12] =	ssyncadd.s32 $0xFFFE8000  }
0x2ae: {  	_ =	sfence.sel $0x180000  }
0x2af: {  	[bflag:$0x0] =	sbarrier.arrive $0xFFFF  }
0x2b0: {  	_ =	strace $0x90000047  }
0x2b1: {  	s0 =	stileid.u32;
	[bflag:$0x2] =	sbarrier.arrive $0xFFFF  }
0x2b2: {  	p0 =	sne.s32 s0, $0x0;
	s0 =	rddreg [dreg:$0x9]  }
0x2b3: {  	s0 =	sadd.s32 @!p0 $0x100000, s0  }
0x2b4: {  	[sflag:s0] =	ssyncadd.tile.s32 @!p0 $0x1;
	_ =	shalt  }
.Lfunc_end2:
_tile_overlayer_lowered:
.L_overlay_start_2:
0x2b5: {  	(tag) =	ssettag $0x2  }
0x2b6: {  	s0 =	rddreg [dreg:$0x0];
	s2 =	stileid.u32  }
0x2b7: {  	s1 =	rddreg [dreg:$0x1];
	p0 =	sne.s32 s2, $0x0  }
0x2b8: {  	s3 =	rddreg [dreg:$0x2];
	[bflag:$0x3] =	sbarrier.arrive $0xFFFF;
	s2 =	simm.s32 @!p0 $0x1C04  }
0x2b9: {  	[timem:s3], [sflag:s2] =	dma.local @!p0 [hbm:s0], s1  }
0x2ba: {  	s0 =	simm.s32 @!p0 $0x4  }
0x2bb: {  	_ =	swait.ge @!p0 [sflag:s0], s1  }
0x2bc: {  	s1 =	ssub.s32 @!p0 $0x0, s1;
	[sflag:s0] =	ssyncset.done @!p0 $0x0  }
0x2bd: {  	[sflag:s0] =	ssyncadd.s32 @!p0 s1  }
0x2be: {  	[bflag:$0x3] =	sbarrier.arrive $0xFFFF  }
0x2bf: {  	_ =	shalt  }

</sc_bundles>
